<compile_context>
chip_gen: v7x
topology: tpu7x:2x2x1
jax: 0.10.2.dev20260603
libtpu: 0.0.44.dev20260713+nightly
codegen_flags: <defaults>
</compile_context>

<pallas_src>
import functools
import jax
import jax.numpy as jnp
from jax import lax
from jax.experimental import pallas as pl
from jax.experimental.pallas import tpu as pltpu
from jax.experimental.pallas import tpu_sc as plsc

NUM_USERS = 5000
NUM_ITEMS = 5000
N = NUM_USERS + NUM_ITEMS
D = 128
NUM_LAYERS = 3
E = 320000

NC, NS = 2, 16
NW = NC * NS
CH = 128
NCHT = 2560
EPAD = NCHT * CH
KT = NCHT // NW
KPART = 40
NP = 10240
RPT = NP // NS

_mesh = plsc.VectorSubcoreMesh(
    core_axis_name="c", subcore_axis_name="s", num_cores=NC, num_subcores=NS
)


def _zero16():
    return jnp.zeros((16,), jnp.float32)


@functools.partial(
    pl.kernel,
    out_type=jax.ShapeDtypeStruct((NC, NS, RPT), jnp.float32),
    mesh=_mesh,
    scratch_types=[
        pltpu.VMEM_SHARED((NP,), jnp.float32),
        pltpu.VMEM((KT, CH), jnp.int32),
        pltpu.VMEM((CH,), jnp.float32),
        pltpu.VMEM((RPT,), jnp.float32),
        pltpu.SemaphoreType.DMA,
    ],
)
def _hist_kernel(col_hbm, out_hbm, hist_sp, col_v, ones_v, zb_v, sem):
    cid = lax.axis_index("c")
    sid = lax.axis_index("s")
    base = (cid * NS + sid) * KT

    def zb_body(i, _):
        zb_v[pl.ds(i * 16, 16)] = _zero16()
        return 0

    lax.fori_loop(0, RPT // 16, zb_body, 0)

    def ones_body(i, _):
        ones_v[pl.ds(i * 16, 16)] = jnp.ones((16,), jnp.float32)
        return 0

    lax.fori_loop(0, CH // 16, ones_body, 0)

    pltpu.sync_copy(zb_v, hist_sp.at[pl.ds(sid * RPT, RPT)])
    plsc.subcore_barrier()

    pltpu.async_copy(col_hbm.at[pl.ds(base, KT)], col_v, sem).wait()

    def chunk_body(j, _):
        pltpu.sync_copy(ones_v, hist_sp.at[col_v.at[j]], add=True)
        return 0

    lax.fori_loop(0, KT, chunk_body, 0)
    plsc.subcore_barrier()
    pltpu.sync_copy(hist_sp.at[pl.ds(sid * RPT, RPT)], out_hbm.at[cid, sid])


def _scale_body(dga_ref, dgb_ref, a_ref, b_ref, dis_ref):
    deg = dga_ref[...] + dgb_ref[...]
    dis = jnp.where(deg > 0.0, lax.rsqrt(deg), 0.0)
    dis_ref[...] = dis
    b_ref[...] = a_ref[...] * dis


_ROWS_BLK = 1000
_GRID = N // _ROWS_BLK


def _scale_call(dga, dgb, a):
    return pl.pallas_call(
        _scale_body,
        grid=(_GRID,),
        in_specs=[
            pl.BlockSpec((_ROWS_BLK, 1), lambda i: (i, 0)),
            pl.BlockSpec((_ROWS_BLK, 1), lambda i: (i, 0)),
            pl.BlockSpec((_ROWS_BLK, D), lambda i: (i, 0)),
        ],
        out_specs=[
            pl.BlockSpec((_ROWS_BLK, D), lambda i: (i, 0)),
            pl.BlockSpec((_ROWS_BLK, 1), lambda i: (i, 0)),
        ],
        out_shape=[
            jax.ShapeDtypeStruct((N, D), jnp.float32),
            jax.ShapeDtypeStruct((N, 1), jnp.float32),
        ],
    )(dga, dgb, a)


@functools.partial(
    pl.kernel,
    out_type=jax.ShapeDtypeStruct((NC, NS, RPT, D), jnp.float32),
    mesh=_mesh,
    scratch_types=[
        pltpu.VMEM_SHARED((NP, D), jnp.float32),
        pltpu.VMEM((KPART, CH), jnp.int32),
        pltpu.VMEM((KPART, CH), jnp.int32),
        pltpu.VMEM((CH, D), jnp.float32),
        pltpu.VMEM((CH, D), jnp.float32),
        pltpu.SemaphoreType.DMA,
        pltpu.SemaphoreType.DMA,
        pltpu.SemaphoreType.DMA,
    ],
)
def _scatter_kernel(row_hbm, col_hbm, b_hbm, out_hbm,
                    c_sp, row_v, col_v, g0_v, g1_v, sem0, sem1, semi):
    cid = lax.axis_index("c")
    sid = lax.axis_index("s")

    def zb_body(i, _):
        g0_v[i // 8, pl.ds((i % 8) * 16, 16)] = _zero16()
        return 0

    lax.fori_loop(0, CH * D // 16, zb_body, 0)

    def zcopy_body(t, _):
        pltpu.sync_copy(g0_v, c_sp.at[pl.ds(sid * RPT + t * CH, CH)])
        return 0

    lax.fori_loop(0, RPT // CH, zcopy_body, 0)
    plsc.subcore_barrier()

    dummy = b_hbm.at[pl.ds(0, CH)]

    def run_part(base):
        idx_copy = pltpu.async_copy(row_hbm.at[pl.ds(base, KPART)],
                                    row_v, semi)
        pltpu.async_copy(col_hbm.at[pl.ds(base, KPART)], col_v, sem1).wait()
        idx_copy.wait()

        pltpu.async_copy(b_hbm.at[row_v.at[0]], g0_v, sem0)

        def pair_body(i, _):
            j0 = 2 * i
            pltpu.async_copy(b_hbm.at[row_v.at[j0 + 1]], g1_v, sem1)
            pltpu.make_async_copy(dummy, g0_v, sem0).wait()
            pltpu.sync_copy(g0_v, c_sp.at[col_v.at[j0]], add=True)

            @pl.when(j0 + 2 < KPART)
            def _():
                pltpu.async_copy(b_hbm.at[row_v.at[j0 + 2]], g0_v, sem0)

            pltpu.make_async_copy(dummy, g1_v, sem1).wait()
            pltpu.sync_copy(g1_v, c_sp.at[col_v.at[j0 + 1]], add=True)
            return 0

        lax.fori_loop(0, KPART // 2, pair_body, 0)

    base0 = (cid * NS + sid) * KT
    for i in range(KT // KPART):
        run_part(base0 + i * KPART)

    plsc.subcore_barrier()
    pltpu.sync_copy(c_sp.at[pl.ds(sid * RPT, RPT)], out_hbm.at[cid, sid])


def _combine_body(scal_ref, a_ref, dis_ref, ca_ref, cb_ref, out_ref):
    sw = scal_ref[0]
    alpha = scal_ref[1]
    c = ca_ref[...] + cb_ref[...]
    out_ref[...] = sw * a_ref[...] + (alpha * dis_ref[...]) * c


def _combine_call(scal, a, dis, ca, cb):
    return pl.pallas_call(
        _combine_body,
        grid=(_GRID,),
        in_specs=[
            pl.BlockSpec(memory_space=pltpu.SMEM),
            pl.BlockSpec((_ROWS_BLK, D), lambda i: (i, 0)),
            pl.BlockSpec((_ROWS_BLK, 1), lambda i: (i, 0)),
            pl.BlockSpec((_ROWS_BLK, D), lambda i: (i, 0)),
            pl.BlockSpec((_ROWS_BLK, D), lambda i: (i, 0)),
        ],
        out_specs=pl.BlockSpec((_ROWS_BLK, D), lambda i: (i, 0)),
        out_shape=jax.ShapeDtypeStruct((N, D), jnp.float32),
    )(scal, a, dis, ca, cb)


@jax.jit
def kernel(edge_index, user_emb_w, item_emb_w, attention):
    a = jnp.concatenate([user_emb_w, item_emb_w], axis=0)

    w = jax.nn.softmax(attention.reshape(NUM_LAYERS + 1), axis=0)
    sw = jnp.sum(w)
    ks = jnp.arange(NUM_LAYERS + 1, dtype=jnp.float32)
    alpha = jnp.sum(w * ks)
    scal = jnp.stack([sw, alpha])

    row = edge_index[0]
    col = edge_index[1]
    pad = EPAD - E
    padrow = jnp.arange(pad, dtype=jnp.int32) % N
    padcol = N + (jnp.arange(pad, dtype=jnp.int32) % (NP - N))
    rowp = jnp.concatenate([row, padrow])
    colp = jnp.concatenate([col, padcol])
    rowf = rowp.reshape(NCHT, CH)
    colf = colp.reshape(NCHT, CH)

    deg2 = _hist_kernel(colf)
    degf = deg2.reshape(NC, NP)
    dga = degf[0, :N].reshape(N, 1)
    dgb = degf[1, :N].reshape(N, 1)

    b, dis = _scale_call(dga, dgb, a)

    c2 = _scatter_kernel(rowf, colf, b)
    cf = c2.reshape(NC, NP, D)
    ca = cf[0, :N]
    cb = cf[1, :N]

    final = _combine_call(scal, a, dis, ca, cb)
    return final[:NUM_USERS], final[NUM_USERS:]

# --- scband reference (transcript-rebuilt; emitter-appended) ---
"""Pipeline reference for scband-enhanced-light-gcn-85246510891049 (READ-ONLY COPY).

The authoritative reference and input builder live on the scoring server;
editing this copy changes nothing except your own understanding.
"""

import jax, jax.numpy as jnp
import numpy as np

NUM_USERS = 5000
NUM_ITEMS = 5000
D = 128
NUM_LAYERS = 3
N_EDGES = 320000


def setup_inputs(seed: int = 0) -> dict:
    key = jax.random.key(seed)
    k1, k2, k3 = jax.random.split(key, 3)
    edge_index = jax.random.randint(k1, (2, N_EDGES), 0, NUM_USERS + NUM_ITEMS, dtype=jnp.int32)
    user_emb_w = jax.random.normal(k2, (NUM_USERS, D), dtype=jnp.float32) * 0.1
    item_emb_w = jax.random.normal(k3, (NUM_ITEMS, D), dtype=jnp.float32) * 0.1
    attention = jnp.ones((NUM_LAYERS + 1, 1, 1), dtype=jnp.float32)
    return {"edge_index": edge_index, "user_emb_w": user_emb_w, "item_emb_w": item_emb_w, "attention": attention}


def lgconv(x, edge_index, num_nodes):
    # PyG LGConv: gcn_norm with add_self_loops=False, then sum-aggregate messages
    row = edge_index[0]
    col = edge_index[1]
    ones = jnp.ones((edge_index.shape[1],), dtype=x.dtype)
    deg = jax.ops.segment_sum(ones, col, num_segments=num_nodes)
    deg_inv_sqrt = jnp.where(deg > 0, 1.0 / jnp.sqrt(deg), 0.0)
    norm = deg_inv_sqrt[row] * deg_inv_sqrt[col]
    msgs = x[row] * norm[:, None]
    return jax.ops.segment_sum(msgs, col, num_segments=num_nodes)


def reference(edge_index, user_emb_w, item_emb_w, attention):
    # dropout p=0.0 (eval) -> identity
    N = NUM_USERS + NUM_ITEMS
    all_emb = jnp.concatenate([user_emb_w, item_emb_w], axis=0)
    embs = [all_emb]
    for _ in range(NUM_LAYERS):
        # NOTE: faithful to original: conv always consumes the ORIGINAL all_emb
        new_emb = lgconv(all_emb, edge_index, N)
        new_emb = new_emb + embs[-1]
        embs.append(new_emb)
    stacked = jnp.stack(embs, axis=0)
    attn_w = jax.nn.softmax(attention, axis=0)
    final_emb = (stacked * attn_w).sum(axis=0)
    return (final_emb[:NUM_USERS], final_emb[NUM_USERS:])

if __name__ == "__main__":
    import jax
    _d = setup_inputs()
    print(jax.jit(kernel)(*tuple(_d.values())))

</pallas_src>

<mosaic_0001>
#map = affine_map<(d0, d1) -> (0, 0)>
#map1 = affine_map<(d0, d1) -> (0, 0, 0)>
module attributes {stable_mosaic.version = 14 : i64} {
  func.func @_hist_kernel(%arg0: i32, %arg1: i32, %arg2: memref<2560x128xi32, #tpu.memory_space<hbm>>, %arg3: memref<2x16x640xf32, #tpu.memory_space<hbm>>, %arg4: memref<10240xf32, #tpu.memory_space<vmem_shared>>, %arg5: memref<80x128xi32, #tpu.memory_space<vmem>>, %arg6: memref<128xf32, #tpu.memory_space<vmem>>, %arg7: memref<640xf32, #tpu.memory_space<vmem>>, %arg8: memref<!tpu.dma_semaphore, #tpu.memory_space<semaphore_mem>>) attributes {dimension_semantics = [#tpu.dimension_semantics<core_parallel>, #tpu.dimension_semantics<subcore_parallel>], iteration_bounds = array<i64: 2, 16>, scalar_prefetch = 0 : i64, scratch_operands = 5 : i64, tpu.core_type = #tpu.core_type<sc_vector_subcore>, window_params = [{transform_indices = #map}, {transform_indices = #map1}]} {
    %mul3A = arith.constant 16 : i32
    %mul3A_0 = arith.muli %arg0, %mul3A : i32
    %add3A = arith.addi %mul3A_0, %arg1 : i32
    %mul3A_1 = arith.constant 80 : i32
    %mul3A_2 = arith.muli %add3A, %mul3A_1 : i32
    %scan3A = arith.constant 0 : i32
    %scan3A_3 = arith.constant 0 : i32
    %scan3A_4 = arith.constant 40 : i32
    %scan3A_5 = arith.addi %scan3A_3, %scan3A_4 : i32
    %scan3A_6 = arith.constant 1 : i32
    %scan3A_7 = scf.for %scan3A_34 = %scan3A_3 to %scan3A_5 step %scan3A_6 iter_args(%scan3A_35 = %scan3A) -> (i32)  : i32 {
      %broadcast_in_dim3A = arith.constant 0.000000e+00 : f32
      %broadcast_in_dim3A_36 = vector.broadcast %broadcast_in_dim3A : f32 to vector<16xf32>
      %mul3A_37 = arith.constant 16 : i32
      %mul3A_38 = arith.muli %scan3A_34, %mul3A_37 : i32
      %swap3A = arith.index_cast %mul3A_38 : i32 to index
      %swap3A_39 = tpu.vector_load %arg7[%swap3A] {strides = array<i32>} : memref<640xf32, #tpu.memory_space<vmem>>, vector<16xf32>,
      %swap3A_40 = vector.shape_cast %swap3A_39 : vector<16xf32> to vector<16xf32>
      %swap3A_41 = vector.shape_cast %broadcast_in_dim3A_36 : vector<16xf32> to vector<16xf32>
      tpu.vector_store %arg7[%swap3A], %swap3A_41 {strides = array<i32>} : memref<640xf32, #tpu.memory_space<vmem>>, vector<16xf32>,
      %scan3A_42 = arith.constant 0 : i32
      scf.yield %scan3A_42 : i32
    }
    %scan3A_8 = arith.constant 40 : i32
    %scan3A_9 = arith.constant 0 : i32
    %scan3A_10 = arith.constant 0 : i32
    %scan3A_11 = arith.constant 8 : i32
    %scan3A_12 = arith.addi %scan3A_10, %scan3A_11 : i32
    %scan3A_13 = arith.constant 1 : i32
    %scan3A_14 = scf.for %scan3A_34 = %scan3A_10 to %scan3A_12 step %scan3A_13 iter_args(%scan3A_35 = %scan3A_9) -> (i32)  : i32 {
      %broadcast_in_dim3A = arith.constant 1.000000e+00 : f32
      %broadcast_in_dim3A_36 = vector.broadcast %broadcast_in_dim3A : f32 to vector<16xf32>
      %mul3A_37 = arith.constant 16 : i32
      %mul3A_38 = arith.muli %scan3A_34, %mul3A_37 : i32
      %swap3A = arith.index_cast %mul3A_38 : i32 to index
      %swap3A_39 = tpu.vector_load %arg6[%swap3A] {strides = array<i32>} : memref<128xf32, #tpu.memory_space<vmem>>, vector<16xf32>,
      %swap3A_40 = vector.shape_cast %swap3A_39 : vector<16xf32> to vector<16xf32>
      %swap3A_41 = vector.shape_cast %broadcast_in_dim3A_36 : vector<16xf32> to vector<16xf32>
      tpu.vector_store %arg6[%swap3A], %swap3A_41 {strides = array<i32>} : memref<128xf32, #tpu.memory_space<vmem>>, vector<16xf32>,
      %scan3A_42 = arith.constant 0 : i32
      scf.yield %scan3A_42 : i32
    }
    %scan3A_15 = arith.constant 8 : i32
    %mul3A_16 = arith.constant 640 : i32
    %mul3A_17 = arith.muli %arg1, %mul3A_16 : i32
    "tpu.region"() ({
      %run_scoped3A = tpu.sem_alloc : memref<!tpu.dma_semaphore, #tpu.memory_space<semaphore_mem>>
      %dma_start3A_34 = tpu.memref_slice %arg4[%mul3A_17] : memref<10240xf32, #tpu.memory_space<vmem_shared>> -> memref<640xf32, #tpu.memory_space<vmem_shared>>
      %dma_start3A_35 = tpu.memref_slice %arg4[%mul3A_17] : memref<10240xf32, #tpu.memory_space<vmem_shared>> -> memref<640xf32, #tpu.memory_space<vmem_shared>>
      tpu.enqueue_dma source(%arg7 : memref<640xf32, #tpu.memory_space<vmem>>) target(%dma_start3A_35 : memref<640xf32, #tpu.memory_space<vmem_shared>>) target_semaphore(%run_scoped3A : memref<!tpu.dma_semaphore, #tpu.memory_space<semaphore_mem>>)
      %dma_wait3A_36 = tpu.memref_slice %arg4[%mul3A_17] : memref<10240xf32, #tpu.memory_space<vmem_shared>> -> memref<640xf32, #tpu.memory_space<vmem_shared>>
      %dma_wait3A_37 = tpu.memref_slice %arg4[%mul3A_17] : memref<10240xf32, #tpu.memory_space<vmem_shared>> -> memref<640xf32, #tpu.memory_space<vmem_shared>>
      tpu.wait_dma2 semaphore(%run_scoped3A : memref<!tpu.dma_semaphore, #tpu.memory_space<semaphore_mem>>) src(%arg7 : memref<640xf32, #tpu.memory_space<vmem>>) dst(%dma_wait3A_37 : memref<640xf32, #tpu.memory_space<vmem_shared>>)
      tpu.yield
    }) : () -> ()
    %barrier3A = arith.constant 0 : index
    tpu.barrier barrier_id(%barrier3A)
    %dma_start3A = arith.constant 0 : i32
    %dma_start3A_18 = tpu.memref_slice %arg2[%mul3A_2, %dma_start3A] : memref<2560x128xi32, #tpu.memory_space<hbm>> -> memref<80x128xi32, #tpu.memory_space<hbm>>
    %dma_start3A_19 = arith.constant 0 : i32
    %dma_start3A_20 = tpu.memref_slice %arg2[%mul3A_2, %dma_start3A_19] : memref<2560x128xi32, #tpu.memory_space<hbm>> -> memref<80x128xi32, #tpu.memory_space<hbm>>
    tpu.enqueue_dma source(%dma_start3A_20 : memref<80x128xi32, #tpu.memory_space<hbm>>) target(%arg5 : memref<80x128xi32, #tpu.memory_space<vmem>>) target_semaphore(%arg8 : memref<!tpu.dma_semaphore, #tpu.memory_space<semaphore_mem>>)
    %dma_wait3A = arith.constant 0 : i32
    %dma_wait3A_21 = tpu.memref_slice %arg2[%mul3A_2, %dma_wait3A] : memref<2560x128xi32, #tpu.memory_space<hbm>> -> memref<80x128xi32, #tpu.memory_space<hbm>>
    %dma_wait3A_22 = arith.constant 0 : i32
    %dma_wait3A_23 = tpu.memref_slice %arg2[%mul3A_2, %dma_wait3A_22] : memref<2560x128xi32, #tpu.memory_space<hbm>> -> memref<80x128xi32, #tpu.memory_space<hbm>>
    tpu.wait_dma2 semaphore(%arg8 : memref<!tpu.dma_semaphore, #tpu.memory_space<semaphore_mem>>) src(%dma_wait3A_23 : memref<80x128xi32, #tpu.memory_space<hbm>>) dst(%arg5 : memref<80x128xi32, #tpu.memory_space<vmem>>)
    %scan3A_24 = arith.constant 0 : i32
    %scan3A_25 = arith.constant 0 : i32
    %scan3A_26 = arith.constant 80 : i32
    %scan3A_27 = arith.addi %scan3A_25, %scan3A_26 : i32
    %scan3A_28 = arith.constant 1 : i32
    %scan3A_29 = scf.for %scan3A_34 = %scan3A_25 to %scan3A_27 step %scan3A_28 iter_args(%scan3A_35 = %scan3A_24) -> (i32)  : i32 {
      "tpu.region"() ({
        %run_scoped3A = tpu.sem_alloc : memref<!tpu.dma_semaphore, #tpu.memory_space<semaphore_mem>>
        %dma_start3A_37 = arith.constant 0 : i32
        %dma_start3A_38 = tpu.memref_slice %arg5[%scan3A_34, %dma_start3A_37] : memref<80x128xi32, #tpu.memory_space<vmem>> -> memref<1x128xi32, #tpu.memory_space<vmem>>
        %dma_start3A_39 = tpu.memref_squeeze %dma_start3A_38 : memref<1x128xi32, #tpu.memory_space<vmem>> -> memref<128xi32, #tpu.memory_space<vmem>>
        %dma_start3A_40 = arith.constant 0 : i32
        %dma_start3A_41 = tpu.memref_slice %arg4[%dma_start3A_40] : memref<10240xf32, #tpu.memory_space<vmem_shared>> -> memref<10240xf32, #tpu.memory_space<vmem_shared>>
        tpu.enqueue_indirect_dma source(%arg6 : memref<128xf32, #tpu.memory_space<vmem>>) target(%dma_start3A_41 : memref<10240xf32, #tpu.memory_space<vmem_shared>>) offsets(%dma_start3A_39 : memref<128xi32, #tpu.memory_space<vmem>>) semaphore(%run_scoped3A : memref<!tpu.dma_semaphore, #tpu.memory_space<semaphore_mem>>) {add = true}
        %dma_wait3A_42 = arith.constant 0 : i32
        %dma_wait3A_43 = tpu.memref_slice %arg5[%scan3A_34, %dma_wait3A_42] : memref<80x128xi32, #tpu.memory_space<vmem>> -> memref<1x128xi32, #tpu.memory_space<vmem>>
        %dma_wait3A_44 = tpu.memref_squeeze %dma_wait3A_43 : memref<1x128xi32, #tpu.memory_space<vmem>> -> memref<128xi32, #tpu.memory_space<vmem>>
        %dma_wait3A_45 = arith.constant 0 : i32
        %dma_wait3A_46 = tpu.memref_slice %arg4[%dma_wait3A_45] : memref<10240xf32, #tpu.memory_space<vmem_shared>> -> memref<10240xf32, #tpu.memory_space<vmem_shared>>
        tpu.wait_indirect_dma semaphore(%run_scoped3A : memref<!tpu.dma_semaphore, #tpu.memory_space<semaphore_mem>>) src(%arg6 : memref<128xf32, #tpu.memory_space<vmem>>) dst(%dma_wait3A_46 : memref<10240xf32, #tpu.memory_space<vmem_shared>>)
        tpu.yield
      }) : () -> ()
      %scan3A_36 = arith.constant 0 : i32
      scf.yield %scan3A_36 : i32
    }
    %scan3A_30 = arith.constant 80 : i32
    %barrier3A_31 = arith.constant 0 : index
    tpu.barrier barrier_id(%barrier3A_31)
    %mul3A_32 = arith.constant 640 : i32
    %mul3A_33 = arith.muli %arg1, %mul3A_32 : i32
    "tpu.region"() ({
      %run_scoped3A = tpu.sem_alloc : memref<!tpu.dma_semaphore, #tpu.memory_space<semaphore_mem>>
      %dma_start3A_34 = arith.constant 0 : i32
      %dma_start3A_35 = tpu.memref_slice %arg3[%arg0, %arg1, %dma_start3A_34] : memref<2x16x640xf32, #tpu.memory_space<hbm>> -> memref<1x1x640xf32, #tpu.memory_space<hbm>>
      %dma_start3A_36 = tpu.memref_squeeze %dma_start3A_35 : memref<1x1x640xf32, #tpu.memory_space<hbm>> -> memref<640xf32, #tpu.memory_space<hbm>>
      %dma_start3A_37 = tpu.memref_slice %arg4[%mul3A_33] : memref<10240xf32, #tpu.memory_space<vmem_shared>> -> memref<640xf32, #tpu.memory_space<vmem_shared>>
      tpu.enqueue_dma source(%dma_start3A_37 : memref<640xf32, #tpu.memory_space<vmem_shared>>) target(%dma_start3A_36 : memref<640xf32, #tpu.memory_space<hbm>>) target_semaphore(%run_scoped3A : memref<!tpu.dma_semaphore, #tpu.memory_space<semaphore_mem>>)
      %dma_wait3A_38 = arith.constant 0 : i32
      %dma_wait3A_39 = tpu.memref_slice %arg3[%arg0, %arg1, %dma_wait3A_38] : memref<2x16x640xf32, #tpu.memory_space<hbm>> -> memref<1x1x640xf32, #tpu.memory_space<hbm>>
      %dma_wait3A_40 = tpu.memref_squeeze %dma_wait3A_39 : memref<1x1x640xf32, #tpu.memory_space<hbm>> -> memref<640xf32, #tpu.memory_space<hbm>>
      %dma_wait3A_41 = tpu.memref_slice %arg4[%mul3A_33] : memref<10240xf32, #tpu.memory_space<vmem_shared>> -> memref<640xf32, #tpu.memory_space<vmem_shared>>
      tpu.wait_dma2 semaphore(%run_scoped3A : memref<!tpu.dma_semaphore, #tpu.memory_space<semaphore_mem>>) src(%dma_wait3A_41 : memref<640xf32, #tpu.memory_space<vmem_shared>>) dst(%dma_wait3A_40 : memref<640xf32, #tpu.memory_space<hbm>>)
      tpu.yield
    }) : () -> ()
    return
  }
}

#map = affine_map<(d0, d1) -> (0, 0)>
#map1 = affine_map<(d0, d1) -> (0, 0, 0, 0)>
module attributes {stable_mosaic.version = 14 : i64} {
  func.func @_scatter_kernel(%arg0: i32, %arg1: i32, %arg2: memref<2560x128xi32, #tpu.memory_space<hbm>>, %arg3: memref<2560x128xi32, #tpu.memory_space<hbm>>, %arg4: memref<10000x128xf32, #tpu.memory_space<hbm>>, %arg5: memref<2x16x640x128xf32, #tpu.memory_space<hbm>>, %arg6: memref<10240x128xf32, #tpu.memory_space<vmem_shared>>, %arg7: memref<40x128xi32, #tpu.memory_space<vmem>>, %arg8: memref<40x128xi32, #tpu.memory_space<vmem>>, %arg9: memref<128x128xf32, #tpu.memory_space<vmem>>, %arg10: memref<128x128xf32, #tpu.memory_space<vmem>>, %arg11: memref<!tpu.dma_semaphore, #tpu.memory_space<semaphore_mem>>, %arg12: memref<!tpu.dma_semaphore, #tpu.memory_space<semaphore_mem>>, %arg13: memref<!tpu.dma_semaphore, #tpu.memory_space<semaphore_mem>>) attributes {dimension_semantics = [#tpu.dimension_semantics<core_parallel>, #tpu.dimension_semantics<subcore_parallel>], iteration_bounds = array<i64: 2, 16>, scalar_prefetch = 0 : i64, scratch_operands = 8 : i64, tpu.core_type = #tpu.core_type<sc_vector_subcore>, window_params = [{transform_indices = #map}, {transform_indices = #map}, {transform_indices = #map}, {transform_indices = #map1}]} {
    %scan3A = arith.constant 0 : i32
    %scan3A_0 = arith.constant 0 : i32
    %scan3A_1 = arith.constant 1024 : i32
    %scan3A_2 = arith.addi %scan3A_0, %scan3A_1 : i32
    %scan3A_3 = arith.constant 1 : i32
    %scan3A_4 = scf.for %scan3A_81 = %scan3A_0 to %scan3A_2 step %scan3A_3 iter_args(%scan3A_82 = %scan3A) -> (i32)  : i32 {
      %broadcast_in_dim3A = arith.constant 0.000000e+00 : f32
      %broadcast_in_dim3A_83 = vector.broadcast %broadcast_in_dim3A : f32 to vector<16xf32>
      %jit3A = arith.constant 8 : i32
      %div3A = arith.divsi %scan3A_81, %jit3A : i32
      %sign3A = arith.constant 0 : i32
      %sign3A_84 = arith.cmpi sgt, %scan3A_81, %sign3A : i32
      %sign3A_85 = arith.extui %sign3A_84 : i1 to i32
      %sign3A_86 = arith.constant 0 : i32
      %sign3A_87 = arith.cmpi slt, %scan3A_81, %sign3A_86 : i32
      %sign3A_88 = arith.extui %sign3A_87 : i1 to i32
      %sign3A_89 = arith.subi %sign3A_85, %sign3A_88 : i32
      %sign3A_90 = arith.constant 0 : i32
      %sign3A_91 = arith.cmpi sgt, %jit3A, %sign3A_90 : i32
      %sign3A_92 = arith.extui %sign3A_91 : i1 to i32
      %sign3A_93 = arith.constant 0 : i32
      %sign3A_94 = arith.cmpi slt, %jit3A, %sign3A_93 : i32
      %sign3A_95 = arith.extui %sign3A_94 : i1 to i32
      %sign3A_96 = arith.subi %sign3A_92, %sign3A_95 : i32
      %ne3A = arith.cmpi ne, %sign3A_89, %sign3A_96 : i32
      %rem3A = arith.remsi %scan3A_81, %jit3A : i32
      %ne3A_97 = arith.constant 0 : i32
      %ne3A_98 = arith.cmpi ne, %rem3A, %ne3A_97 : i32
      %and3A = arith.andi %ne3A, %ne3A_98 : i1
      %sub3A = arith.constant 1 : i32
      %sub3A_99 = arith.subi %div3A, %sub3A : i32
      %select_n3A = arith.select %and3A, %sub3A_99, %div3A : i32
      %jit3A_100 = arith.constant 8 : i32
      %eq3A = arith.constant 0 : i32
      %eq3A_101 = arith.cmpi eq, %jit3A_100, %eq3A : i32
      %jit3A_102 = arith.constant 1 : i32
      %select_n3A_103 = arith.select %eq3A_101, %jit3A_102, %jit3A_100 : i32
      %rem3A_104 = arith.remsi %scan3A_81, %select_n3A_103 : i32
      %ne3A_105 = arith.constant 0 : i32
      %ne3A_106 = arith.cmpi ne, %rem3A_104, %ne3A_105 : i32
      %lt3A = arith.constant 0 : i32
      %lt3A_107 = arith.cmpi slt, %rem3A_104, %lt3A : i32
      %lt3A_108 = arith.constant 0 : i32
      %lt3A_109 = arith.cmpi slt, %select_n3A_103, %lt3A_108 : i32
      %ne3A_110 = arith.xori %lt3A_107, %lt3A_109 : i1
      %and3A_111 = arith.andi %ne3A_110, %ne3A_106 : i1
      %add3A_112 = arith.addi %rem3A_104, %select_n3A_103 : i32
      %select_n3A_113 = arith.select %and3A_111, %add3A_112, %rem3A_104 : i32
      %mul3A_114 = arith.constant 16 : i32
      %mul3A_115 = arith.muli %select_n3A_113, %mul3A_114 : i32
      %swap3A = arith.index_cast %select_n3A : i32 to index
      %swap3A_116 = arith.index_cast %mul3A_115 : i32 to index
      %swap3A_117 = tpu.vector_load %arg9[%swap3A, %swap3A_116] {strides = array<i32>} : memref<128x128xf32, #tpu.memory_space<vmem>>, vector<1x16xf32>,
      %swap3A_118 = vector.shape_cast %swap3A_117 : vector<1x16xf32> to vector<16xf32>
      %swap3A_119 = vector.shape_cast %broadcast_in_dim3A_83 : vector<16xf32> to vector<1x16xf32>
      tpu.vector_store %arg9[%swap3A, %swap3A_116], %swap3A_119 {strides = array<i32>} : memref<128x128xf32, #tpu.memory_space<vmem>>, vector<1x16xf32>,
      %scan3A_120 = arith.constant 0 : i32
      scf.yield %scan3A_120 : i32
    }
    %scan3A_5 = arith.constant 1024 : i32
    %scan3A_6 = arith.constant 0 : i32
    %scan3A_7 = arith.constant 0 : i32
    %scan3A_8 = arith.constant 5 : i32
    %scan3A_9 = arith.addi %scan3A_7, %scan3A_8 : i32
    %scan3A_10 = arith.constant 1 : i32
    %scan3A_11 = scf.for %scan3A_81 = %scan3A_7 to %scan3A_9 step %scan3A_10 iter_args(%scan3A_82 = %scan3A_6) -> (i32)  : i32 {
      %mul3A_83 = arith.constant 640 : i32
      %mul3A_84 = arith.muli %arg1, %mul3A_83 : i32
      %mul3A_85 = arith.constant 128 : i32
      %mul3A_86 = arith.muli %scan3A_81, %mul3A_85 : i32
      %add3A_87 = arith.addi %mul3A_84, %mul3A_86 : i32
      "tpu.region"() ({
        %run_scoped3A = tpu.sem_alloc : memref<!tpu.dma_semaphore, #tpu.memory_space<semaphore_mem>>
        %dma_start3A_89 = arith.constant 0 : i32
        %dma_start3A_90 = tpu.memref_slice %arg6[%add3A_87, %dma_start3A_89] : memref<10240x128xf32, #tpu.memory_space<vmem_shared>> -> memref<128x128xf32, #tpu.memory_space<vmem_shared>>
        %dma_start3A_91 = arith.constant 0 : i32
        %dma_start3A_92 = tpu.memref_slice %arg6[%add3A_87, %dma_start3A_91] : memref<10240x128xf32, #tpu.memory_space<vmem_shared>> -> memref<128x128xf32, #tpu.memory_space<vmem_shared>>
        tpu.enqueue_dma source(%arg9 : memref<128x128xf32, #tpu.memory_space<vmem>>) target(%dma_start3A_92 : memref<128x128xf32, #tpu.memory_space<vmem_shared>>) target_semaphore(%run_scoped3A : memref<!tpu.dma_semaphore, #tpu.memory_space<semaphore_mem>>)
        %dma_wait3A_93 = arith.constant 0 : i32
        %dma_wait3A_94 = tpu.memref_slice %arg6[%add3A_87, %dma_wait3A_93] : memref<10240x128xf32, #tpu.memory_space<vmem_shared>> -> memref<128x128xf32, #tpu.memory_space<vmem_shared>>
        %dma_wait3A_95 = arith.constant 0 : i32
        %dma_wait3A_96 = tpu.memref_slice %arg6[%add3A_87, %dma_wait3A_95] : memref<10240x128xf32, #tpu.memory_space<vmem_shared>> -> memref<128x128xf32, #tpu.memory_space<vmem_shared>>
        tpu.wait_dma2 semaphore(%run_scoped3A : memref<!tpu.dma_semaphore, #tpu.memory_space<semaphore_mem>>) src(%arg9 : memref<128x128xf32, #tpu.memory_space<vmem>>) dst(%dma_wait3A_96 : memref<128x128xf32, #tpu.memory_space<vmem_shared>>)
        tpu.yield
      }) : () -> ()
      %scan3A_88 = arith.constant 0 : i32
      scf.yield %scan3A_88 : i32
    }
    %scan3A_12 = arith.constant 5 : i32
    %barrier3A = arith.constant 0 : index
    tpu.barrier barrier_id(%barrier3A)
    %mul3A = arith.constant 16 : i32
    %mul3A_13 = arith.muli %arg0, %mul3A : i32
    %add3A = arith.addi %mul3A_13, %arg1 : i32
    %mul3A_14 = arith.constant 80 : i32
    %mul3A_15 = arith.muli %add3A, %mul3A_14 : i32
    %add3A_16 = arith.constant 0 : i32
    %add3A_17 = arith.addi %mul3A_15, %add3A_16 : i32
    %dma_start3A = arith.constant 0 : i32
    %dma_start3A_18 = tpu.memref_slice %arg2[%add3A_17, %dma_start3A] : memref<2560x128xi32, #tpu.memory_space<hbm>> -> memref<40x128xi32, #tpu.memory_space<hbm>>
    %dma_start3A_19 = arith.constant 0 : i32
    %dma_start3A_20 = tpu.memref_slice %arg2[%add3A_17, %dma_start3A_19] : memref<2560x128xi32, #tpu.memory_space<hbm>> -> memref<40x128xi32, #tpu.memory_space<hbm>>
    tpu.enqueue_dma source(%dma_start3A_20 : memref<40x128xi32, #tpu.memory_space<hbm>>) target(%arg7 : memref<40x128xi32, #tpu.memory_space<vmem>>) target_semaphore(%arg13 : memref<!tpu.dma_semaphore, #tpu.memory_space<semaphore_mem>>)
    %dma_start3A_21 = arith.constant 0 : i32
    %dma_start3A_22 = tpu.memref_slice %arg3[%add3A_17, %dma_start3A_21] : memref<2560x128xi32, #tpu.memory_space<hbm>> -> memref<40x128xi32, #tpu.memory_space<hbm>>
    %dma_start3A_23 = arith.constant 0 : i32
    %dma_start3A_24 = tpu.memref_slice %arg3[%add3A_17, %dma_start3A_23] : memref<2560x128xi32, #tpu.memory_space<hbm>> -> memref<40x128xi32, #tpu.memory_space<hbm>>
    tpu.enqueue_dma source(%dma_start3A_24 : memref<40x128xi32, #tpu.memory_space<hbm>>) target(%arg8 : memref<40x128xi32, #tpu.memory_space<vmem>>) target_semaphore(%arg12 : memref<!tpu.dma_semaphore, #tpu.memory_space<semaphore_mem>>)
    %dma_wait3A = arith.constant 0 : i32
    %dma_wait3A_25 = tpu.memref_slice %arg3[%add3A_17, %dma_wait3A] : memref<2560x128xi32, #tpu.memory_space<hbm>> -> memref<40x128xi32, #tpu.memory_space<hbm>>
    %dma_wait3A_26 = arith.constant 0 : i32
    %dma_wait3A_27 = tpu.memref_slice %arg3[%add3A_17, %dma_wait3A_26] : memref<2560x128xi32, #tpu.memory_space<hbm>> -> memref<40x128xi32, #tpu.memory_space<hbm>>
    tpu.wait_dma2 semaphore(%arg12 : memref<!tpu.dma_semaphore, #tpu.memory_space<semaphore_mem>>) src(%dma_wait3A_27 : memref<40x128xi32, #tpu.memory_space<hbm>>) dst(%arg8 : memref<40x128xi32, #tpu.memory_space<vmem>>)
    %dma_wait3A_28 = arith.constant 0 : i32
    %dma_wait3A_29 = tpu.memref_slice %arg2[%add3A_17, %dma_wait3A_28] : memref<2560x128xi32, #tpu.memory_space<hbm>> -> memref<40x128xi32, #tpu.memory_space<hbm>>
    %dma_wait3A_30 = arith.constant 0 : i32
    %dma_wait3A_31 = tpu.memref_slice %arg2[%add3A_17, %dma_wait3A_30] : memref<2560x128xi32, #tpu.memory_space<hbm>> -> memref<40x128xi32, #tpu.memory_space<hbm>>
    tpu.wait_dma2 semaphore(%arg13 : memref<!tpu.dma_semaphore, #tpu.memory_space<semaphore_mem>>) src(%dma_wait3A_31 : memref<40x128xi32, #tpu.memory_space<hbm>>) dst(%arg7 : memref<40x128xi32, #tpu.memory_space<vmem>>)
    %dma_start3A_32 = arith.constant 0 : i32
    %dma_start3A_33 = arith.constant 0 : i32
    %dma_start3A_34 = tpu.memref_slice %arg7[%dma_start3A_32, %dma_start3A_33] : memref<40x128xi32, #tpu.memory_space<vmem>> -> memref<1x128xi32, #tpu.memory_space<vmem>>
    %dma_start3A_35 = tpu.memref_squeeze %dma_start3A_34 : memref<1x128xi32, #tpu.memory_space<vmem>> -> memref<128xi32, #tpu.memory_space<vmem>>
    %dma_start3A_36 = arith.constant 0 : i32
    %dma_start3A_37 = arith.constant 0 : i32
    %dma_start3A_38 = tpu.memref_slice %arg4[%dma_start3A_36, %dma_start3A_37] : memref<10000x128xf32, #tpu.memory_space<hbm>> -> memref<10000x128xf32, #tpu.memory_space<hbm>>
    tpu.enqueue_indirect_dma source(%dma_start3A_38 : memref<10000x128xf32, #tpu.memory_space<hbm>>) target(%arg9 : memref<128x128xf32, #tpu.memory_space<vmem>>) offsets(%dma_start3A_35 : memref<128xi32, #tpu.memory_space<vmem>>) semaphore(%arg11 : memref<!tpu.dma_semaphore, #tpu.memory_space<semaphore_mem>>)
    %scan3A_39 = arith.constant 0 : i32
    %scan3A_40 = arith.constant 0 : i32
    %scan3A_41 = arith.constant 20 : i32
    %scan3A_42 = arith.addi %scan3A_40, %scan3A_41 : i32
    %scan3A_43 = arith.constant 1 : i32
    %scan3A_44 = scf.for %scan3A_81 = %scan3A_40 to %scan3A_42 step %scan3A_43 iter_args(%scan3A_82 = %scan3A_39) -> (i32)  : i32 {
      %mul3A_83 = arith.constant 2 : i32
      %mul3A_84 = arith.muli %mul3A_83, %scan3A_81 : i32
      %add3A_85 = arith.constant 1 : i32
      %add3A_86 = arith.addi %mul3A_84, %add3A_85 : i32
      %dma_start3A_87 = arith.constant 0 : i32
      %dma_start3A_88 = tpu.memref_slice %arg7[%add3A_86, %dma_start3A_87] : memref<40x128xi32, #tpu.memory_space<vmem>> -> memref<1x128xi32, #tpu.memory_space<vmem>>
      %dma_start3A_89 = tpu.memref_squeeze %dma_start3A_88 : memref<1x128xi32, #tpu.memory_space<vmem>> -> memref<128xi32, #tpu.memory_space<vmem>>
      %dma_start3A_90 = arith.constant 0 : i32
      %dma_start3A_91 = arith.constant 0 : i32
      %dma_start3A_92 = tpu.memref_slice %arg4[%dma_start3A_90, %dma_start3A_91] : memref<10000x128xf32, #tpu.memory_space<hbm>> -> memref<10000x128xf32, #tpu.memory_space<hbm>>
      tpu.enqueue_indirect_dma source(%dma_start3A_92 : memref<10000x128xf32, #tpu.memory_space<hbm>>) target(%arg10 : memref<128x128xf32, #tpu.memory_space<vmem>>) offsets(%dma_start3A_89 : memref<128xi32, #tpu.memory_space<vmem>>) semaphore(%arg12 : memref<!tpu.dma_semaphore, #tpu.memory_space<semaphore_mem>>)
      %dma_wait3A_93 = arith.constant 0 : i32
      %dma_wait3A_94 = arith.constant 0 : i32
      %dma_wait3A_95 = tpu.memref_slice %arg4[%dma_wait3A_93, %dma_wait3A_94] : memref<10000x128xf32, #tpu.memory_space<hbm>> -> memref<128x128xf32, #tpu.memory_space<hbm>>
      %dma_wait3A_96 = arith.constant 0 : i32
      %dma_wait3A_97 = arith.constant 0 : i32
      %dma_wait3A_98 = tpu.memref_slice %arg4[%dma_wait3A_96, %dma_wait3A_97] : memref<10000x128xf32, #tpu.memory_space<hbm>> -> memref<128x128xf32, #tpu.memory_space<hbm>>
      tpu.wait_dma2 semaphore(%arg11 : memref<!tpu.dma_semaphore, #tpu.memory_space<semaphore_mem>>) src(%dma_wait3A_98 : memref<128x128xf32, #tpu.memory_space<hbm>>) dst(%arg9 : memref<128x128xf32, #tpu.memory_space<vmem>>)
      "tpu.region"() ({
        %run_scoped3A = tpu.sem_alloc : memref<!tpu.dma_semaphore, #tpu.memory_space<semaphore_mem>>
        %dma_start3A_112 = arith.constant 0 : i32
        %dma_start3A_113 = tpu.memref_slice %arg8[%mul3A_84, %dma_start3A_112] : memref<40x128xi32, #tpu.memory_space<vmem>> -> memref<1x128xi32, #tpu.memory_space<vmem>>
        %dma_start3A_114 = tpu.memref_squeeze %dma_start3A_113 : memref<1x128xi32, #tpu.memory_space<vmem>> -> memref<128xi32, #tpu.memory_space<vmem>>
        %dma_start3A_115 = arith.constant 0 : i32
        %dma_start3A_116 = arith.constant 0 : i32
        %dma_start3A_117 = tpu.memref_slice %arg6[%dma_start3A_115, %dma_start3A_116] : memref<10240x128xf32, #tpu.memory_space<vmem_shared>> -> memref<10240x128xf32, #tpu.memory_space<vmem_shared>>
        tpu.enqueue_indirect_dma source(%arg9 : memref<128x128xf32, #tpu.memory_space<vmem>>) target(%dma_start3A_117 : memref<10240x128xf32, #tpu.memory_space<vmem_shared>>) offsets(%dma_start3A_114 : memref<128xi32, #tpu.memory_space<vmem>>) semaphore(%run_scoped3A : memref<!tpu.dma_semaphore, #tpu.memory_space<semaphore_mem>>) {add = true}
        %dma_wait3A_118 = arith.constant 0 : i32
        %dma_wait3A_119 = tpu.memref_slice %arg8[%mul3A_84, %dma_wait3A_118] : memref<40x128xi32, #tpu.memory_space<vmem>> -> memref<1x128xi32, #tpu.memory_space<vmem>>
        %dma_wait3A_120 = tpu.memref_squeeze %dma_wait3A_119 : memref<1x128xi32, #tpu.memory_space<vmem>> -> memref<128xi32, #tpu.memory_space<vmem>>
        %dma_wait3A_121 = arith.constant 0 : i32
        %dma_wait3A_122 = arith.constant 0 : i32
        %dma_wait3A_123 = tpu.memref_slice %arg6[%dma_wait3A_121, %dma_wait3A_122] : memref<10240x128xf32, #tpu.memory_space<vmem_shared>> -> memref<10240x128xf32, #tpu.memory_space<vmem_shared>>
        tpu.wait_indirect_dma semaphore(%run_scoped3A : memref<!tpu.dma_semaphore, #tpu.memory_space<semaphore_mem>>) src(%arg9 : memref<128x128xf32, #tpu.memory_space<vmem>>) dst(%dma_wait3A_123 : memref<10240x128xf32, #tpu.memory_space<vmem_shared>>)
        tpu.yield
      }) : () -> ()
      %add3A_99 = arith.constant 2 : i32
      %add3A_100 = arith.addi %mul3A_84, %add3A_99 : i32
      %lt3A = arith.constant 40 : i32
      %lt3A_101 = arith.cmpi slt, %add3A_100, %lt3A : i32
      %convert_element_type3A = arith.extui %lt3A_101 : i1 to i32
      %cond3A = arith.constant 0 : i32
      %cond3A_102 = arith.cmpi ne, %convert_element_type3A, %cond3A : i32
      scf.if %cond3A_102 {
        %add3A_112 = arith.constant 2 : i32
        %add3A_113 = arith.addi %mul3A_84, %add3A_112 : i32
        %dma_start3A_114 = arith.constant 0 : i32
        %dma_start3A_115 = tpu.memref_slice %arg7[%add3A_113, %dma_start3A_114] : memref<40x128xi32, #tpu.memory_space<vmem>> -> memref<1x128xi32, #tpu.memory_space<vmem>>
        %dma_start3A_116 = tpu.memref_squeeze %dma_start3A_115 : memref<1x128xi32, #tpu.memory_space<vmem>> -> memref<128xi32, #tpu.memory_space<vmem>>
        %dma_start3A_117 = arith.constant 0 : i32
        %dma_start3A_118 = arith.constant 0 : i32
        %dma_start3A_119 = tpu.memref_slice %arg4[%dma_start3A_117, %dma_start3A_118] : memref<10000x128xf32, #tpu.memory_space<hbm>> -> memref<10000x128xf32, #tpu.memory_space<hbm>>
        tpu.enqueue_indirect_dma source(%dma_start3A_119 : memref<10000x128xf32, #tpu.memory_space<hbm>>) target(%arg9 : memref<128x128xf32, #tpu.memory_space<vmem>>) offsets(%dma_start3A_116 : memref<128xi32, #tpu.memory_space<vmem>>) semaphore(%arg11 : memref<!tpu.dma_semaphore, #tpu.memory_space<semaphore_mem>>)
      } else {
      }
      %dma_wait3A_103 = arith.constant 0 : i32
      %dma_wait3A_104 = arith.constant 0 : i32
      %dma_wait3A_105 = tpu.memref_slice %arg4[%dma_wait3A_103, %dma_wait3A_104] : memref<10000x128xf32, #tpu.memory_space<hbm>> -> memref<128x128xf32, #tpu.memory_space<hbm>>
      %dma_wait3A_106 = arith.constant 0 : i32
      %dma_wait3A_107 = arith.constant 0 : i32
      %dma_wait3A_108 = tpu.memref_slice %arg4[%dma_wait3A_106, %dma_wait3A_107] : memref<10000x128xf32, #tpu.memory_space<hbm>> -> memref<128x128xf32, #tpu.memory_space<hbm>>
      tpu.wait_dma2 semaphore(%arg12 : memref<!tpu.dma_semaphore, #tpu.memory_space<semaphore_mem>>) src(%dma_wait3A_108 : memref<128x128xf32, #tpu.memory_space<hbm>>) dst(%arg10 : memref<128x128xf32, #tpu.memory_space<vmem>>)
      %add3A_109 = arith.constant 1 : i32
      %add3A_110 = arith.addi %mul3A_84, %add3A_109 : i32
      "tpu.region"() ({
        %run_scoped3A = tpu.sem_alloc : memref<!tpu.dma_semaphore, #tpu.memory_space<semaphore_mem>>
        %dma_start3A_112 = arith.constant 0 : i32
        %dma_start3A_113 = tpu.memref_slice %arg8[%add3A_110, %dma_start3A_112] : memref<40x128xi32, #tpu.memory_space<vmem>> -> memref<1x128xi32, #tpu.memory_space<vmem>>
        %dma_start3A_114 = tpu.memref_squeeze %dma_start3A_113 : memref<1x128xi32, #tpu.memory_space<vmem>> -> memref<128xi32, #tpu.memory_space<vmem>>
        %dma_start3A_115 = arith.constant 0 : i32
        %dma_start3A_116 = arith.constant 0 : i32
        %dma_start3A_117 = tpu.memref_slice %arg6[%dma_start3A_115, %dma_start3A_116] : memref<10240x128xf32, #tpu.memory_space<vmem_shared>> -> memref<10240x128xf32, #tpu.memory_space<vmem_shared>>
        tpu.enqueue_indirect_dma source(%arg10 : memref<128x128xf32, #tpu.memory_space<vmem>>) target(%dma_start3A_117 : memref<10240x128xf32, #tpu.memory_space<vmem_shared>>) offsets(%dma_start3A_114 : memref<128xi32, #tpu.memory_space<vmem>>) semaphore(%run_scoped3A : memref<!tpu.dma_semaphore, #tpu.memory_space<semaphore_mem>>) {add = true}
        %dma_wait3A_118 = arith.constant 0 : i32
        %dma_wait3A_119 = tpu.memref_slice %arg8[%add3A_110, %dma_wait3A_118] : memref<40x128xi32, #tpu.memory_space<vmem>> -> memref<1x128xi32, #tpu.memory_space<vmem>>
        %dma_wait3A_120 = tpu.memref_squeeze %dma_wait3A_119 : memref<1x128xi32, #tpu.memory_space<vmem>> -> memref<128xi32, #tpu.memory_space<vmem>>
        %dma_wait3A_121 = arith.constant 0 : i32
        %dma_wait3A_122 = arith.constant 0 : i32
        %dma_wait3A_123 = tpu.memref_slice %arg6[%dma_wait3A_121, %dma_wait3A_122] : memref<10240x128xf32, #tpu.memory_space<vmem_shared>> -> memref<10240x128xf32, #tpu.memory_space<vmem_shared>>
        tpu.wait_indirect_dma semaphore(%run_scoped3A : memref<!tpu.dma_semaphore, #tpu.memory_space<semaphore_mem>>) src(%arg10 : memref<128x128xf32, #tpu.memory_space<vmem>>) dst(%dma_wait3A_123 : memref<10240x128xf32, #tpu.memory_space<vmem_shared>>)
        tpu.yield
      }) : () -> ()
      %scan3A_111 = arith.constant 0 : i32
      scf.yield %scan3A_111 : i32
    }
    %scan3A_45 = arith.constant 20 : i32
    %add3A_46 = arith.constant 40 : i32
    %add3A_47 = arith.addi %mul3A_15, %add3A_46 : i32
    %dma_start3A_48 = arith.constant 0 : i32
    %dma_start3A_49 = tpu.memref_slice %arg2[%add3A_47, %dma_start3A_48] : memref<2560x128xi32, #tpu.memory_space<hbm>> -> memref<40x128xi32, #tpu.memory_space<hbm>>
    %dma_start3A_50 = arith.constant 0 : i32
    %dma_start3A_51 = tpu.memref_slice %arg2[%add3A_47, %dma_start3A_50] : memref<2560x128xi32, #tpu.memory_space<hbm>> -> memref<40x128xi32, #tpu.memory_space<hbm>>
    tpu.enqueue_dma source(%dma_start3A_51 : memref<40x128xi32, #tpu.memory_space<hbm>>) target(%arg7 : memref<40x128xi32, #tpu.memory_space<vmem>>) target_semaphore(%arg13 : memref<!tpu.dma_semaphore, #tpu.memory_space<semaphore_mem>>)
    %dma_start3A_52 = arith.constant 0 : i32
    %dma_start3A_53 = tpu.memref_slice %arg3[%add3A_47, %dma_start3A_52] : memref<2560x128xi32, #tpu.memory_space<hbm>> -> memref<40x128xi32, #tpu.memory_space<hbm>>
    %dma_start3A_54 = arith.constant 0 : i32
    %dma_start3A_55 = tpu.memref_slice %arg3[%add3A_47, %dma_start3A_54] : memref<2560x128xi32, #tpu.memory_space<hbm>> -> memref<40x128xi32, #tpu.memory_space<hbm>>
    tpu.enqueue_dma source(%dma_start3A_55 : memref<40x128xi32, #tpu.memory_space<hbm>>) target(%arg8 : memref<40x128xi32, #tpu.memory_space<vmem>>) target_semaphore(%arg12 : memref<!tpu.dma_semaphore, #tpu.memory_space<semaphore_mem>>)
    %dma_wait3A_56 = arith.constant 0 : i32
    %dma_wait3A_57 = tpu.memref_slice %arg3[%add3A_47, %dma_wait3A_56] : memref<2560x128xi32, #tpu.memory_space<hbm>> -> memref<40x128xi32, #tpu.memory_space<hbm>>
    %dma_wait3A_58 = arith.constant 0 : i32
    %dma_wait3A_59 = tpu.memref_slice %arg3[%add3A_47, %dma_wait3A_58] : memref<2560x128xi32, #tpu.memory_space<hbm>> -> memref<40x128xi32, #tpu.memory_space<hbm>>
    tpu.wait_dma2 semaphore(%arg12 : memref<!tpu.dma_semaphore, #tpu.memory_space<semaphore_mem>>) src(%dma_wait3A_59 : memref<40x128xi32, #tpu.memory_space<hbm>>) dst(%arg8 : memref<40x128xi32, #tpu.memory_space<vmem>>)
    %dma_wait3A_60 = arith.constant 0 : i32
    %dma_wait3A_61 = tpu.memref_slice %arg2[%add3A_47, %dma_wait3A_60] : memref<2560x128xi32, #tpu.memory_space<hbm>> -> memref<40x128xi32, #tpu.memory_space<hbm>>
    %dma_wait3A_62 = arith.constant 0 : i32
    %dma_wait3A_63 = tpu.memref_slice %arg2[%add3A_47, %dma_wait3A_62] : memref<2560x128xi32, #tpu.memory_space<hbm>> -> memref<40x128xi32, #tpu.memory_space<hbm>>
    tpu.wait_dma2 semaphore(%arg13 : memref<!tpu.dma_semaphore, #tpu.memory_space<semaphore_mem>>) src(%dma_wait3A_63 : memref<40x128xi32, #tpu.memory_space<hbm>>) dst(%arg7 : memref<40x128xi32, #tpu.memory_space<vmem>>)
    %dma_start3A_64 = arith.constant 0 : i32
    %dma_start3A_65 = arith.constant 0 : i32
    %dma_start3A_66 = tpu.memref_slice %arg7[%dma_start3A_64, %dma_start3A_65] : memref<40x128xi32, #tpu.memory_space<vmem>> -> memref<1x128xi32, #tpu.memory_space<vmem>>
    %dma_start3A_67 = tpu.memref_squeeze %dma_start3A_66 : memref<1x128xi32, #tpu.memory_space<vmem>> -> memref<128xi32, #tpu.memory_space<vmem>>
    %dma_start3A_68 = arith.constant 0 : i32
    %dma_start3A_69 = arith.constant 0 : i32
    %dma_start3A_70 = tpu.memref_slice %arg4[%dma_start3A_68, %dma_start3A_69] : memref<10000x128xf32, #tpu.memory_space<hbm>> -> memref<10000x128xf32, #tpu.memory_space<hbm>>
    tpu.enqueue_indirect_dma source(%dma_start3A_70 : memref<10000x128xf32, #tpu.memory_space<hbm>>) target(%arg9 : memref<128x128xf32, #tpu.memory_space<vmem>>) offsets(%dma_start3A_67 : memref<128xi32, #tpu.memory_space<vmem>>) semaphore(%arg11 : memref<!tpu.dma_semaphore, #tpu.memory_space<semaphore_mem>>)
    %scan3A_71 = arith.constant 0 : i32
    %scan3A_72 = arith.constant 0 : i32
    %scan3A_73 = arith.constant 20 : i32
    %scan3A_74 = arith.addi %scan3A_72, %scan3A_73 : i32
    %scan3A_75 = arith.constant 1 : i32
    %scan3A_76 = scf.for %scan3A_81 = %scan3A_72 to %scan3A_74 step %scan3A_75 iter_args(%scan3A_82 = %scan3A_71) -> (i32)  : i32 {
      %mul3A_83 = arith.constant 2 : i32
      %mul3A_84 = arith.muli %mul3A_83, %scan3A_81 : i32
      %add3A_85 = arith.constant 1 : i32
      %add3A_86 = arith.addi %mul3A_84, %add3A_85 : i32
      %dma_start3A_87 = arith.constant 0 : i32
      %dma_start3A_88 = tpu.memref_slice %arg7[%add3A_86, %dma_start3A_87] : memref<40x128xi32, #tpu.memory_space<vmem>> -> memref<1x128xi32, #tpu.memory_space<vmem>>
      %dma_start3A_89 = tpu.memref_squeeze %dma_start3A_88 : memref<1x128xi32, #tpu.memory_space<vmem>> -> memref<128xi32, #tpu.memory_space<vmem>>
      %dma_start3A_90 = arith.constant 0 : i32
      %dma_start3A_91 = arith.constant 0 : i32
      %dma_start3A_92 = tpu.memref_slice %arg4[%dma_start3A_90, %dma_start3A_91] : memref<10000x128xf32, #tpu.memory_space<hbm>> -> memref<10000x128xf32, #tpu.memory_space<hbm>>
      tpu.enqueue_indirect_dma source(%dma_start3A_92 : memref<10000x128xf32, #tpu.memory_space<hbm>>) target(%arg10 : memref<128x128xf32, #tpu.memory_space<vmem>>) offsets(%dma_start3A_89 : memref<128xi32, #tpu.memory_space<vmem>>) semaphore(%arg12 : memref<!tpu.dma_semaphore, #tpu.memory_space<semaphore_mem>>)
      %dma_wait3A_93 = arith.constant 0 : i32
      %dma_wait3A_94 = arith.constant 0 : i32
      %dma_wait3A_95 = tpu.memref_slice %arg4[%dma_wait3A_93, %dma_wait3A_94] : memref<10000x128xf32, #tpu.memory_space<hbm>> -> memref<128x128xf32, #tpu.memory_space<hbm>>
      %dma_wait3A_96 = arith.constant 0 : i32
      %dma_wait3A_97 = arith.constant 0 : i32
      %dma_wait3A_98 = tpu.memref_slice %arg4[%dma_wait3A_96, %dma_wait3A_97] : memref<10000x128xf32, #tpu.memory_space<hbm>> -> memref<128x128xf32, #tpu.memory_space<hbm>>
      tpu.wait_dma2 semaphore(%arg11 : memref<!tpu.dma_semaphore, #tpu.memory_space<semaphore_mem>>) src(%dma_wait3A_98 : memref<128x128xf32, #tpu.memory_space<hbm>>) dst(%arg9 : memref<128x128xf32, #tpu.memory_space<vmem>>)
      "tpu.region"() ({
        %run_scoped3A = tpu.sem_alloc : memref<!tpu.dma_semaphore, #tpu.memory_space<semaphore_mem>>
        %dma_start3A_112 = arith.constant 0 : i32
        %dma_start3A_113 = tpu.memref_slice %arg8[%mul3A_84, %dma_start3A_112] : memref<40x128xi32, #tpu.memory_space<vmem>> -> memref<1x128xi32, #tpu.memory_space<vmem>>
        %dma_start3A_114 = tpu.memref_squeeze %dma_start3A_113 : memref<1x128xi32, #tpu.memory_space<vmem>> -> memref<128xi32, #tpu.memory_space<vmem>>
        %dma_start3A_115 = arith.constant 0 : i32
        %dma_start3A_116 = arith.constant 0 : i32
        %dma_start3A_117 = tpu.memref_slice %arg6[%dma_start3A_115, %dma_start3A_116] : memref<10240x128xf32, #tpu.memory_space<vmem_shared>> -> memref<10240x128xf32, #tpu.memory_space<vmem_shared>>
        tpu.enqueue_indirect_dma source(%arg9 : memref<128x128xf32, #tpu.memory_space<vmem>>) target(%dma_start3A_117 : memref<10240x128xf32, #tpu.memory_space<vmem_shared>>) offsets(%dma_start3A_114 : memref<128xi32, #tpu.memory_space<vmem>>) semaphore(%run_scoped3A : memref<!tpu.dma_semaphore, #tpu.memory_space<semaphore_mem>>) {add = true}
        %dma_wait3A_118 = arith.constant 0 : i32
        %dma_wait3A_119 = tpu.memref_slice %arg8[%mul3A_84, %dma_wait3A_118] : memref<40x128xi32, #tpu.memory_space<vmem>> -> memref<1x128xi32, #tpu.memory_space<vmem>>
        %dma_wait3A_120 = tpu.memref_squeeze %dma_wait3A_119 : memref<1x128xi32, #tpu.memory_space<vmem>> -> memref<128xi32, #tpu.memory_space<vmem>>
        %dma_wait3A_121 = arith.constant 0 : i32
        %dma_wait3A_122 = arith.constant 0 : i32
        %dma_wait3A_123 = tpu.memref_slice %arg6[%dma_wait3A_121, %dma_wait3A_122] : memref<10240x128xf32, #tpu.memory_space<vmem_shared>> -> memref<10240x128xf32, #tpu.memory_space<vmem_shared>>
        tpu.wait_indirect_dma semaphore(%run_scoped3A : memref<!tpu.dma_semaphore, #tpu.memory_space<semaphore_mem>>) src(%arg9 : memref<128x128xf32, #tpu.memory_space<vmem>>) dst(%dma_wait3A_123 : memref<10240x128xf32, #tpu.memory_space<vmem_shared>>)
        tpu.yield
      }) : () -> ()
      %add3A_99 = arith.constant 2 : i32
      %add3A_100 = arith.addi %mul3A_84, %add3A_99 : i32
      %lt3A = arith.constant 40 : i32
      %lt3A_101 = arith.cmpi slt, %add3A_100, %lt3A : i32
      %convert_element_type3A = arith.extui %lt3A_101 : i1 to i32
      %cond3A = arith.constant 0 : i32
      %cond3A_102 = arith.cmpi ne, %convert_element_type3A, %cond3A : i32
      scf.if %cond3A_102 {
        %add3A_112 = arith.constant 2 : i32
        %add3A_113 = arith.addi %mul3A_84, %add3A_112 : i32
        %dma_start3A_114 = arith.constant 0 : i32
        %dma_start3A_115 = tpu.memref_slice %arg7[%add3A_113, %dma_start3A_114] : memref<40x128xi32, #tpu.memory_space<vmem>> -> memref<1x128xi32, #tpu.memory_space<vmem>>
        %dma_start3A_116 = tpu.memref_squeeze %dma_start3A_115 : memref<1x128xi32, #tpu.memory_space<vmem>> -> memref<128xi32, #tpu.memory_space<vmem>>
        %dma_start3A_117 = arith.constant 0 : i32
        %dma_start3A_118 = arith.constant 0 : i32
        %dma_start3A_119 = tpu.memref_slice %arg4[%dma_start3A_117, %dma_start3A_118] : memref<10000x128xf32, #tpu.memory_space<hbm>> -> memref<10000x128xf32, #tpu.memory_space<hbm>>
        tpu.enqueue_indirect_dma source(%dma_start3A_119 : memref<10000x128xf32, #tpu.memory_space<hbm>>) target(%arg9 : memref<128x128xf32, #tpu.memory_space<vmem>>) offsets(%dma_start3A_116 : memref<128xi32, #tpu.memory_space<vmem>>) semaphore(%arg11 : memref<!tpu.dma_semaphore, #tpu.memory_space<semaphore_mem>>)
      } else {
      }
      %dma_wait3A_103 = arith.constant 0 : i32
      %dma_wait3A_104 = arith.constant 0 : i32
      %dma_wait3A_105 = tpu.memref_slice %arg4[%dma_wait3A_103, %dma_wait3A_104] : memref<10000x128xf32, #tpu.memory_space<hbm>> -> memref<128x128xf32, #tpu.memory_space<hbm>>
      %dma_wait3A_106 = arith.constant 0 : i32
      %dma_wait3A_107 = arith.constant 0 : i32
      %dma_wait3A_108 = tpu.memref_slice %arg4[%dma_wait3A_106, %dma_wait3A_107] : memref<10000x128xf32, #tpu.memory_space<hbm>> -> memref<128x128xf32, #tpu.memory_space<hbm>>
      tpu.wait_dma2 semaphore(%arg12 : memref<!tpu.dma_semaphore, #tpu.memory_space<semaphore_mem>>) src(%dma_wait3A_108 : memref<128x128xf32, #tpu.memory_space<hbm>>) dst(%arg10 : memref<128x128xf32, #tpu.memory_space<vmem>>)
      %add3A_109 = arith.constant 1 : i32
      %add3A_110 = arith.addi %mul3A_84, %add3A_109 : i32
      "tpu.region"() ({
        %run_scoped3A = tpu.sem_alloc : memref<!tpu.dma_semaphore, #tpu.memory_space<semaphore_mem>>
        %dma_start3A_112 = arith.constant 0 : i32
        %dma_start3A_113 = tpu.memref_slice %arg8[%add3A_110, %dma_start3A_112] : memref<40x128xi32, #tpu.memory_space<vmem>> -> memref<1x128xi32, #tpu.memory_space<vmem>>
        %dma_start3A_114 = tpu.memref_squeeze %dma_start3A_113 : memref<1x128xi32, #tpu.memory_space<vmem>> -> memref<128xi32, #tpu.memory_space<vmem>>
        %dma_start3A_115 = arith.constant 0 : i32
        %dma_start3A_116 = arith.constant 0 : i32
        %dma_start3A_117 = tpu.memref_slice %arg6[%dma_start3A_115, %dma_start3A_116] : memref<10240x128xf32, #tpu.memory_space<vmem_shared>> -> memref<10240x128xf32, #tpu.memory_space<vmem_shared>>
        tpu.enqueue_indirect_dma source(%arg10 : memref<128x128xf32, #tpu.memory_space<vmem>>) target(%dma_start3A_117 : memref<10240x128xf32, #tpu.memory_space<vmem_shared>>) offsets(%dma_start3A_114 : memref<128xi32, #tpu.memory_space<vmem>>) semaphore(%run_scoped3A : memref<!tpu.dma_semaphore, #tpu.memory_space<semaphore_mem>>) {add = true}
        %dma_wait3A_118 = arith.constant 0 : i32
        %dma_wait3A_119 = tpu.memref_slice %arg8[%add3A_110, %dma_wait3A_118] : memref<40x128xi32, #tpu.memory_space<vmem>> -> memref<1x128xi32, #tpu.memory_space<vmem>>
        %dma_wait3A_120 = tpu.memref_squeeze %dma_wait3A_119 : memref<1x128xi32, #tpu.memory_space<vmem>> -> memref<128xi32, #tpu.memory_space<vmem>>
        %dma_wait3A_121 = arith.constant 0 : i32
        %dma_wait3A_122 = arith.constant 0 : i32
        %dma_wait3A_123 = tpu.memref_slice %arg6[%dma_wait3A_121, %dma_wait3A_122] : memref<10240x128xf32, #tpu.memory_space<vmem_shared>> -> memref<10240x128xf32, #tpu.memory_space<vmem_shared>>
        tpu.wait_indirect_dma semaphore(%run_scoped3A : memref<!tpu.dma_semaphore, #tpu.memory_space<semaphore_mem>>) src(%arg10 : memref<128x128xf32, #tpu.memory_space<vmem>>) dst(%dma_wait3A_123 : memref<10240x128xf32, #tpu.memory_space<vmem_shared>>)
        tpu.yield
      }) : () -> ()
      %scan3A_111 = arith.constant 0 : i32
      scf.yield %scan3A_111 : i32
    }
    %scan3A_77 = arith.constant 20 : i32
    %barrier3A_78 = arith.constant 0 : index
    tpu.barrier barrier_id(%barrier3A_78)
    %mul3A_79 = arith.constant 640 : i32
    %mul3A_80 = arith.muli %arg1, %mul3A_79 : i32
    "tpu.region"() ({
      %run_scoped3A = tpu.sem_alloc : memref<!tpu.dma_semaphore, #tpu.memory_space<semaphore_mem>>
      %dma_start3A_81 = arith.constant 0 : i32
      %dma_start3A_82 = arith.constant 0 : i32
      %dma_start3A_83 = tpu.memref_slice %arg5[%arg0, %arg1, %dma_start3A_81, %dma_start3A_82] : memref<2x16x640x128xf32, #tpu.memory_space<hbm>> -> memref<1x1x640x128xf32, #tpu.memory_space<hbm>>
      %dma_start3A_84 = tpu.memref_squeeze %dma_start3A_83 : memref<1x1x640x128xf32, #tpu.memory_space<hbm>> -> memref<640x128xf32, #tpu.memory_space<hbm>>
      %dma_start3A_85 = arith.constant 0 : i32
      %dma_start3A_86 = tpu.memref_slice %arg6[%mul3A_80, %dma_start3A_85] : memref<10240x128xf32, #tpu.memory_space<vmem_shared>> -> memref<640x128xf32, #tpu.memory_space<vmem_shared>>
      tpu.enqueue_dma source(%dma_start3A_86 : memref<640x128xf32, #tpu.memory_space<vmem_shared>>) target(%dma_start3A_84 : memref<640x128xf32, #tpu.memory_space<hbm>>) target_semaphore(%run_scoped3A : memref<!tpu.dma_semaphore, #tpu.memory_space<semaphore_mem>>)
      %dma_wait3A_87 = arith.constant 0 : i32
      %dma_wait3A_88 = arith.constant 0 : i32
      %dma_wait3A_89 = tpu.memref_slice %arg5[%arg0, %arg1, %dma_wait3A_87, %dma_wait3A_88] : memref<2x16x640x128xf32, #tpu.memory_space<hbm>> -> memref<1x1x640x128xf32, #tpu.memory_space<hbm>>
      %dma_wait3A_90 = tpu.memref_squeeze %dma_wait3A_89 : memref<1x1x640x128xf32, #tpu.memory_space<hbm>> -> memref<640x128xf32, #tpu.memory_space<hbm>>
      %dma_wait3A_91 = arith.constant 0 : i32
      %dma_wait3A_92 = tpu.memref_slice %arg6[%mul3A_80, %dma_wait3A_91] : memref<10240x128xf32, #tpu.memory_space<vmem_shared>> -> memref<640x128xf32, #tpu.memory_space<vmem_shared>>
      tpu.wait_dma2 semaphore(%run_scoped3A : memref<!tpu.dma_semaphore, #tpu.memory_space<semaphore_mem>>) src(%dma_wait3A_92 : memref<640x128xf32, #tpu.memory_space<vmem_shared>>) dst(%dma_wait3A_90 : memref<640x128xf32, #tpu.memory_space<hbm>>)
      tpu.yield
    }) : () -> ()
    return
  }
}

module attributes {stable_mosaic.version = 14 : i64} {
  func.func @_scale_body(%arg0: i32, %arg1: memref<1000x1xf32, #tpu.memory_space<vmem>>, %arg2: memref<1000x1xf32, #tpu.memory_space<vmem>>, %arg3: memref<1000x128xf32, #tpu.memory_space<vmem>>, %arg4: memref<1000x128xf32, #tpu.memory_space<vmem>>, %arg5: memref<1000x1xf32, #tpu.memory_space<vmem>>) attributes {dimension_semantics = [#tpu.dimension_semantics<arbitrary>], iteration_bounds = array<i64: 10>, scalar_prefetch = 0 : i64, scratch_operands = 0 : i64, tpu.core_type = #tpu.core_type<tc>, window_params = [{transform_indices = @transform_0, window_bounds = array<i64: 1000, 1>}, {transform_indices = @transform_1, window_bounds = array<i64: 1000, 1>}, {transform_indices = @transform_2, window_bounds = array<i64: 1000, 128>}, {transform_indices = @transform_3, window_bounds = array<i64: 1000, 128>}, {transform_indices = @transform_4, window_bounds = array<i64: 1000, 1>}]} {
    %get3A = arith.constant 0 : index
    %get3A_0 = arith.constant 0 : index
    %get3A_1 = vector.load %arg1[%get3A, %get3A_0] : memref<1000x1xf32, #tpu.memory_space<vmem>>, vector<1000x1xf32>
    %get3A_2 = arith.constant 0 : index
    %get3A_3 = arith.constant 0 : index
    %get3A_4 = vector.load %arg2[%get3A_2, %get3A_3] : memref<1000x1xf32, #tpu.memory_space<vmem>>, vector<1000x1xf32>
    %add3A = arith.addf %get3A_1, %get3A_4 : vector<1000x1xf32>
    %gt3A = arith.constant 0.000000e+00 : f32
    %gt3A_5 = vector.broadcast %gt3A : f32 to vector<1000x1xf32>
    %gt3A_6 = arith.cmpf ogt, %add3A, %gt3A_5 : vector<1000x1xf32>
    %rsqrt3A = math.rsqrt %add3A : vector<1000x1xf32>
    %jit3A = arith.constant 0.000000e+00 : f32
    %broadcast_in_dim3A = vector.broadcast %jit3A : f32 to vector<1000x1xf32>
    %select_n3A = arith.select %gt3A_6, %rsqrt3A, %broadcast_in_dim3A : vector<1000x1xi1>, vector<1000x1xf32>
    %swap3A = arith.constant 0 : index
    %swap3A_7 = arith.constant 0 : index
    %swap3A_8 = vector.load %arg5[%swap3A, %swap3A_7] : memref<1000x1xf32, #tpu.memory_space<vmem>>, vector<1000x1xf32>
    tpu.vector_store %arg5[%swap3A, %swap3A_7], %select_n3A {strides = array<i32>} : memref<1000x1xf32, #tpu.memory_space<vmem>>, vector<1000x1xf32>,
    %get3A_9 = arith.constant 0 : index
    %get3A_10 = arith.constant 0 : index
    %get3A_11 = vector.load %arg3[%get3A_9, %get3A_10] : memref<1000x128xf32, #tpu.memory_space<vmem>>, vector<1000x128xf32>
    %mul3A = vector.broadcast %select_n3A : vector<1000x1xf32> to vector<1000x128xf32>
    %mul3A_12 = arith.mulf %get3A_11, %mul3A : vector<1000x128xf32>
    %swap3A_13 = arith.constant 0 : index
    %swap3A_14 = arith.constant 0 : index
    %swap3A_15 = vector.load %arg4[%swap3A_13, %swap3A_14] : memref<1000x128xf32, #tpu.memory_space<vmem>>, vector<1000x128xf32>
    tpu.vector_store %arg4[%swap3A_13, %swap3A_14], %mul3A_12 {strides = array<i32>} : memref<1000x128xf32, #tpu.memory_space<vmem>>, vector<1000x128xf32>,
    return
  }
  func.func @transform_0(%arg0: i32) -> (i32, i32) {
    %c0_i32 = arith.constant 0 : i32
    %c0_i32_0 = arith.constant 0 : i32
    return %arg0, %c0_i32 : i32, i32
  }
  func.func @transform_1(%arg0: i32) -> (i32, i32) {
    %c0_i32 = arith.constant 0 : i32
    %c0_i32_0 = arith.constant 0 : i32
    return %arg0, %c0_i32 : i32, i32
  }
  func.func @transform_2(%arg0: i32) -> (i32, i32) {
    %c0_i32 = arith.constant 0 : i32
    %c0_i32_0 = arith.constant 0 : i32
    return %arg0, %c0_i32 : i32, i32
  }
  func.func @transform_3(%arg0: i32) -> (i32, i32) {
    %c0_i32 = arith.constant 0 : i32
    %c0_i32_0 = arith.constant 0 : i32
    return %arg0, %c0_i32 : i32, i32
  }
  func.func @transform_4(%arg0: i32) -> (i32, i32) {
    %c0_i32 = arith.constant 0 : i32
    %c0_i32_0 = arith.constant 0 : i32
    return %arg0, %c0_i32 : i32, i32
  }
}

module attributes {stable_mosaic.version = 14 : i64} {
  func.func @_combine_body(%arg0: i32, %arg1: memref<2xf32, #tpu.memory_space<smem>>, %arg2: memref<1000x128xf32, #tpu.memory_space<vmem>>, %arg3: memref<1000x1xf32, #tpu.memory_space<vmem>>, %arg4: memref<1000x128xf32, #tpu.memory_space<vmem>>, %arg5: memref<1000x128xf32, #tpu.memory_space<vmem>>, %arg6: memref<1000x128xf32, #tpu.memory_space<vmem>>) attributes {dimension_semantics = [#tpu.dimension_semantics<arbitrary>], iteration_bounds = array<i64: 10>, scalar_prefetch = 0 : i64, scratch_operands = 0 : i64, tpu.core_type = #tpu.core_type<tc>, window_params = [{transform_indices = @transform_0, window_bounds = array<i64: 2>}, {transform_indices = @transform_1, window_bounds = array<i64: 1000, 128>}, {transform_indices = @transform_2, window_bounds = array<i64: 1000, 1>}, {transform_indices = @transform_3, window_bounds = array<i64: 1000, 128>}, {transform_indices = @transform_4, window_bounds = array<i64: 1000, 128>}, {transform_indices = @transform_5, window_bounds = array<i64: 1000, 128>}]} {
    %get3A = arith.constant 0 : index
    %get3A_0 = memref.load %arg1[%get3A] : memref<2xf32, #tpu.memory_space<smem>>
    %get3A_1 = arith.constant 1 : index
    %get3A_2 = memref.load %arg1[%get3A_1] : memref<2xf32, #tpu.memory_space<smem>>
    %get3A_3 = arith.constant 0 : index
    %get3A_4 = arith.constant 0 : index
    %get3A_5 = vector.load %arg4[%get3A_3, %get3A_4] : memref<1000x128xf32, #tpu.memory_space<vmem>>, vector<1000x128xf32>
    %get3A_6 = arith.constant 0 : index
    %get3A_7 = arith.constant 0 : index
    %get3A_8 = vector.load %arg5[%get3A_6, %get3A_7] : memref<1000x128xf32, #tpu.memory_space<vmem>>, vector<1000x128xf32>
    %add3A = arith.addf %get3A_5, %get3A_8 : vector<1000x128xf32>
    %get3A_9 = arith.constant 0 : index
    %get3A_10 = arith.constant 0 : index
    %get3A_11 = vector.load %arg2[%get3A_9, %get3A_10] : memref<1000x128xf32, #tpu.memory_space<vmem>>, vector<1000x128xf32>
    %mul3A = vector.broadcast %get3A_0 : f32 to vector<1000x128xf32>
    %mul3A_12 = arith.mulf %mul3A, %get3A_11 : vector<1000x128xf32>
    %get3A_13 = arith.constant 0 : index
    %get3A_14 = arith.constant 0 : index
    %get3A_15 = vector.load %arg3[%get3A_13, %get3A_14] : memref<1000x1xf32, #tpu.memory_space<vmem>>, vector<1000x1xf32>
    %mul3A_16 = vector.broadcast %get3A_2 : f32 to vector<1000x1xf32>
    %mul3A_17 = arith.mulf %mul3A_16, %get3A_15 : vector<1000x1xf32>
    %mul3A_18 = vector.broadcast %mul3A_17 : vector<1000x1xf32> to vector<1000x128xf32>
    %mul3A_19 = arith.mulf %mul3A_18, %add3A : vector<1000x128xf32>
    %add3A_20 = arith.addf %mul3A_12, %mul3A_19 : vector<1000x128xf32>
    %swap3A = arith.constant 0 : index
    %swap3A_21 = arith.constant 0 : index
    %swap3A_22 = vector.load %arg6[%swap3A, %swap3A_21] : memref<1000x128xf32, #tpu.memory_space<vmem>>, vector<1000x128xf32>
    tpu.vector_store %arg6[%swap3A, %swap3A_21], %add3A_20 {strides = array<i32>} : memref<1000x128xf32, #tpu.memory_space<vmem>>, vector<1000x128xf32>,
    return
  }
  func.func @transform_0(%arg0: i32) -> i32 {
    %c0_i32 = arith.constant 0 : i32
    %c0_i32_0 = arith.constant 0 : i32
    return %c0_i32 : i32
  }
  func.func @transform_1(%arg0: i32) -> (i32, i32) {
    %c0_i32 = arith.constant 0 : i32
    %c0_i32_0 = arith.constant 0 : i32
    return %arg0, %c0_i32 : i32, i32
  }
  func.func @transform_2(%arg0: i32) -> (i32, i32) {
    %c0_i32 = arith.constant 0 : i32
    %c0_i32_0 = arith.constant 0 : i32
    return %arg0, %c0_i32 : i32, i32
  }
  func.func @transform_3(%arg0: i32) -> (i32, i32) {
    %c0_i32 = arith.constant 0 : i32
    %c0_i32_0 = arith.constant 0 : i32
    return %arg0, %c0_i32 : i32, i32
  }
  func.func @transform_4(%arg0: i32) -> (i32, i32) {
    %c0_i32 = arith.constant 0 : i32
    %c0_i32_0 = arith.constant 0 : i32
    return %arg0, %c0_i32 : i32, i32
  }
  func.func @transform_5(%arg0: i32) -> (i32, i32) {
    %c0_i32 = arith.constant 0 : i32
    %c0_i32_0 = arith.constant 0 : i32
    return %arg0, %c0_i32 : i32, i32
  }
}

</mosaic_0001>

<sc_bundles>
// kernel: kernel.6.cloned.1.call-start
scs
__scs_entry_jumppad:
0x0: {  	(pc) =	sbr.rel $0x88, $3  }
0x1: {  	(tag) =	ssettag $0x0;
	lr =	simm.s32 $0x1  }
0x2: {  	[smem:$0x3F9D] =	sst lr;
	_ =	strace $0xD0000000  }
0x3: {  	_ = 	snop  }
0x4: {  	_ = 	snop  }
0x5: {  	_ = 	snop  }
0x6: {  	_ = 	snop  }
0x7: {  	_ = 	snop  }
__scs_overlays_trampoline_lowered:
0x8: {  	[smem:$0x3FAC] =	sst s0  }
0x9: {  	[smem:$0x3FAD] =	sst s1  }
0xa: {  	[smem:$0x3FAE] =	sst s2  }
0xb: {  	[smem:$0x3FAF] =	sst s3  }
0xc: {  	[smem:$0x3FB0] =	sst s4  }
0xd: {  	[smem:$0x3FB1] =	sst s5  }
0xe: {  	[smem:$0x3FB2] =	sst s6  }
0xf: {  	[smem:$0x3FB3] =	sst s7  }
0x10: {  	[smem:$0x3FB4] =	sst s8  }
0x11: {  	[smem:$0x3FB5] =	sst s9;
	s0 =	simm.s32 @!p0 $0x0  }
0x12: {  	s1 =	sld [smem:$0x3F9B];
	s0 =	simm.s32 @p0 $0x1  }
0x13: {  	[smem:$0x3FB6] =	sst s0;
	s0 =	simm.s32 @!p1 $0x0  }
0x14: {  	s2 =	sld [smem:$0x3F9A];
	s0 =	simm.s32 @p1 $0x1  }
0x15: {  	[smem:$0x3FB7] =	sst s0;
	s0 =	simm.s32 @!p2 $0x0  }
0x16: {  	s3 =	sld [smem:$0x3FDB];
	s0 =	simm.s32 @p2 $0x1  }
0x17: {  	s4 =	simm.s32 $0x1BF5;
	[smem:$0x3FB9] =	sst s0  }
0x18: {  	s0 =	sld [smem:$0x3F9C];
	_ =	swait.ge [sflag:s4], $0x0  }
0x19: {  	s7 =	sld [smem:$0x3F9D]  }
0x1a: {  	s8 =	sadd.s32 $0xFFFFE003, lr  }
0x1b: {  	s9 =	sadd.s32 $0xFFFFFEF7, lr;
	s5 =	simm.s32 $0xFFFFFFFF;
	p2 =	slt.u32 s8, $0xFFFFF086  }
0x1c: {  	p1 =	slt.u32 s9, $0xF7A;
	s5 =	simm.s32 @!p2 $0x0  }
0x1d: {  	s5 =	simm.s32 @p1 $0x1;
	p0 =	seq.s32 s7, s2  }
0x1e: {  	s7 =	smul.u32 @!p0 $0xF7A, s2;
	p2 =	seq.s32 @!p0 s5, $0x0  }
0x1f: {  	s9 =	smul.u32 $0xF7A, s1;
	s8 =	simm.s32 @!p0 $0x1BF5;
	p2 =	por !p2, p0  }
0x20: {  	[sflag:s8] =	ssyncset.s32 @!p0 $0xFFFFF086;
	s6 =	sadd.s32 @!p0 s3, s7;
	s7 =	simm.s32 @!p0 $0x108  }
0x21: {  	s3 =	sadd.s32 s3, s9;
	s6 =	sadd.s32 @!p0 $0x88, s6;
	s7 =	simm.s32 @p2 $0x1082  }
0x22: {  	[simem:s7], [sflag:s8] =	dma.local @!p0 [hbm:s6], $0xF7A  }
0x23: {  	s9 =	sor.u32 $0xD0000000, s2;
	s6 =	simm.s32 $0x108;
	_ =	swait.ge @!p0 [sflag:s8], $0x0  }
0x24: {  	s3 =	sadd.s32 $0x88, s3;
	s6 =	simm.s32 @!p1 $0x1082;
	[sflag:s4] =	ssyncset.s32 $0xFFFFF086  }
0x25: {  	[simem:s6], [sflag:s4] =	dma.local [hbm:s3], $0xF7A  }
0x26: {  	[smem:$0x3F9D] =	sst s1;
	(tag) =	ssettag s2;
	_ =	strace s9  }
0x27: {  	s1 =	sld [smem:$0x3FAD]  }
0x28: {  	s2 =	sld [smem:$0x3FAE]  }
0x29: {  	s4 =	sld [smem:$0x3FB0]  }
0x2a: {  	p0 =	seq.s32 s5, $0x0;
	s5 =	sld [smem:$0x3FB1]  }
0x2b: {  	s6 =	sld [smem:$0x3FB2]  }
0x2c: {  	s7 =	sld [smem:$0x3FB3]  }
0x2d: {  	s3 =	simm.s32 $0x108;
	s8 =	sld [smem:$0x3FB4]  }
0x2e: {  	s3 =	simm.s32 @!p0 $0x1082;
	s9 =	sld [smem:$0x3FB5]  }
0x2f: {  	lr =	sadd.s32 s0, s3;
	s0 =	sld [smem:$0x3FAC]  }
0x30: {  	s3 =	sld [smem:$0x3FAF]  }
0x31: {  	[smem:$0x3FB8] =	sst s10  }
0x32: {  	s10 =	sld [smem:$0x3FB6];
	_ =	sdelay $0x3  }
0x33: {  	p0 =	seq.s32 s10, $0x1;
	s10 =	sld [smem:$0x3FB8];
	_ =	sdelay $0x3  }
0x34: {  	[smem:$0x3FB8] =	sst s10  }
0x35: {  	s10 =	sld [smem:$0x3FB7];
	_ =	sdelay $0x3  }
0x36: {  	p1 =	seq.s32 s10, $0x1;
	s10 =	sld [smem:$0x3FB8];
	_ =	sdelay $0x3  }
0x37: {  	[smem:$0x3FB8] =	sst s10  }
0x38: {  	s10 =	sld [smem:$0x3FB9]  }
0x39: {  	_ = 	snop;
	(pc) =	sbr.ind lr, $3  }
0x3a: {  	_ = 	snop  }
0x3b: {  	_ = 	snop  }
0x3c: {  	p2 =	seq.s32 s10, $0x1;
	s10 =	sld [smem:$0x3FB8]  }
0x3d: {  	_ =	shalt  }
0x3e: {  	_ =	shalt  }
0x3f: {  	_ =	shalt  }
0x40: {  	_ =	shalt  }
0x41: {  	_ =	shalt  }
0x42: {  	_ =	shalt  }
0x43: {  	_ =	shalt  }
0x44: {  	_ =	shalt  }
0x45: {  	_ =	shalt  }
0x46: {  	_ =	shalt  }
0x47: {  	_ =	shalt  }
0x48: {  	_ =	shalt  }
0x49: {  	_ =	shalt  }
0x4a: {  	_ =	shalt  }
0x4b: {  	_ =	shalt  }
0x4c: {  	_ =	shalt  }
0x4d: {  	_ =	shalt  }
0x4e: {  	_ =	shalt  }
0x4f: {  	_ =	shalt  }
0x50: {  	_ =	shalt  }
0x51: {  	_ =	shalt  }
0x52: {  	_ =	shalt  }
0x53: {  	_ =	shalt  }
0x54: {  	_ =	shalt  }
0x55: {  	_ =	shalt  }
0x56: {  	_ =	shalt  }
0x57: {  	_ =	shalt  }
0x58: {  	_ =	shalt  }
0x59: {  	_ =	shalt  }
0x5a: {  	_ =	shalt  }
0x5b: {  	_ =	shalt  }
0x5c: {  	_ =	shalt  }
0x5d: {  	_ =	shalt  }
0x5e: {  	_ =	shalt  }
0x5f: {  	_ =	shalt  }
0x60: {  	_ =	shalt  }
0x61: {  	_ =	shalt  }
0x62: {  	_ =	shalt  }
0x63: {  	_ =	shalt  }
0x64: {  	_ =	shalt  }
0x65: {  	_ =	shalt  }
0x66: {  	_ =	shalt  }
0x67: {  	_ =	shalt  }
0x68: {  	_ =	shalt  }
0x69: {  	_ =	shalt  }
0x6a: {  	_ =	shalt  }
0x6b: {  	_ =	shalt  }
0x6c: {  	_ =	shalt  }
0x6d: {  	_ =	shalt  }
0x6e: {  	_ =	shalt  }
0x6f: {  	_ =	shalt  }
0x70: {  	_ =	shalt  }
0x71: {  	_ =	shalt  }
0x72: {  	_ =	shalt  }
0x73: {  	_ =	shalt  }
0x74: {  	_ =	shalt  }
0x75: {  	_ =	shalt  }
0x76: {  	_ =	shalt  }
0x77: {  	_ =	shalt  }
0x78: {  	_ =	shalt  }
0x79: {  	_ =	shalt  }
0x7a: {  	_ =	shalt  }
0x7b: {  	_ =	shalt  }
0x7c: {  	_ =	shalt  }
0x7d: {  	_ =	shalt  }
0x7e: {  	_ =	shalt  }
0x7f: {  	_ =	shalt  }
0x80: {  	_ =	shalt  }
0x81: {  	_ =	shalt  }
0x82: {  	_ =	shalt  }
0x83: {  	_ =	shalt  }
0x84: {  	_ =	shalt  }
0x85: {  	_ =	shalt  }
0x86: {  	_ =	shalt  }
0x87: {  	_ =	shalt  }
.Lfunc_end0:
.L_simem_size_0:
called_computation_lowered:
.L_overlay_start_0:
0x88: {  	s2 =	sld [smem:$0x3FD9]  }
0x89: {  	s3 =	sld [smem:$0x3FFE];
	_ =	sdelay $0x1  }
0x8a: {  	s1 =	srdreg.scid  }
0x8b: {  	s0 =	sand.u32 $0x1, s1  }
0x8c: {  	s14 =	sshll.u32 s0, $0xA;
	s2 =	sadd.s32 s3, s2  }
0x8d: {  	s2 =	sadd.s32 s2, s14  }
0x8e: {  	[smem:$0x3FC4] =	sst s2  }
0x8f: {  	_ = 	snop  }
0x90: {  	s2 =	sld [smem:$0x3FD0];
	_ =	sdelay $0x2  }
0x91: {  	s15 =	simm.s32 $0xA;
	s4 =	simm.s32 $0x10  }
0x92: {  	[smem:s4], [sflag:s15] =	dma.local [hbm:s2], $0x1  }
0x93: {  	_ =	swait.eq [sflag:s15], $0x1  }
0x94: {  	[sflag:s15] =	ssyncset.done $0x0  }
0x95: {  	[sflag:s15] =	ssyncadd.s32 $0xFFFFFFFF  }
0x96: {  	s16 =	sld [smem:$0x10];
	(tm) =	ssettm $0x1  }
0x97: {  	s17 =	sld [smem:$0x3FFB];
	_ =	sdelay $0x3  }
0x98: {  	_ =	strace s17  }
0x99: {  	s3 =	sld [smem:$0x3FFC];
	_ =	sdelay $0x3  }
0x9a: {  	_ =	strace s3  }
0x9b: {  	s3 =	sld [smem:$0x3FFD];
	_ =	sdelay $0x3  }
0x9c: {  	_ =	strace s3  }
0x9d: {  	_ =	strace $0x8FFFFFFF  }
0x9e: {  	s18 =	sld [smem:$0x3FDB];
	_ =	sdelay $0x1  }
0x9f: {  	s19 =	simm.s32 $_scs_section_size  }
0xa0: {  	s5 =	simm.s32 $_size__tile_overlayer_lowered;
	s6 =	simm.s32 $_tile_overlayer_lowered  }
0xa1: {  	s22 =	simm.s32 $0x1BFF;
	s21 =	sshll.u32 s6, $0x1;
	s3 =	sadd.s32 s19, s18  }
0xa2: {  	s7 =	simm.s32 $0x0;
	s20 =	sshll.u32 s5, $0x1;
	s5 =	sadd.s32 s21, s3  }
0xa3: {  	[timem:s7], [sflag:s22] =	dma.local [hbm:s5], s20  }
0xa4: {  	_ =	swait.ge [sflag:s22], s20  }
0xa5: {  	s4 =	ssub.s32 $0x0, s20;
	[sflag:s22] =	ssyncset.done $0x0  }
0xa6: {  	[sflag:s22] =	ssyncadd.s32 s4;
	_ =	sdelay $0x1  }
0xa7: {  	s23 =	simm.s32 $0x1B8B  }
0xa8: {  	_ =	swait.ge [sflag:s23], $0x1  }
0xa9: {  	[sflag:s23] =	ssyncset.done $0x0  }
0xaa: {  	s25 =	simm.s32 $0x1B8E;
	s24 =	sld [smem:$0x3FFE];
	[sflag:s23] =	ssyncadd.s32 $0xFFFFFFFF  }
0xab: {  	s26 =	simm.s32 $execute0_lowered;
	[smem:$0x3FD2] =	sst s25  }
0xac: {  	s5 =	sshll.u32 s26, $0x1;
	_ =	strace $0x80000046;
	[dreg:$0x1] =	wrdreg $0xFFFFFFFF  }
0xad: {  	s28 =	simm.s32 $_size_execute0_lowered;
	s3 =	sadd.s32 s3, s5;
	[dreg:$0x0] =	wrdreg $0x0  }
0xae: {  	s5 =	sshll.u32 s28, $0x1;
	[dreg:$0x2] =	wrdreg s3  }
0xaf: {  	[dreg:$0x3] =	wrdreg s5  }
0xb0: {  	[dreg:$0x4] =	wrdreg $0xC0  }
0xb1: {  	_ =	task [dreg:s7], $0x5FFFF  }
0xb2: {  	[dreg:$0x1] =	wrdreg $0xFFFFFFFF  }
0xb3: {  	[dreg:$0x0] =	wrdreg $0x60  }
0xb4: {  	[dreg:$0x2] =	wrdreg s16  }
0xb5: {  	[dreg:$0x3] =	wrdreg s24  }
0xb6: {  	[dreg:$0x4] =	wrdreg $0x0  }
0xb7: {  	[dreg:$0x5] =	wrdreg $0x9  }
0xb8: {  	_ =	task.clear_ibuf [dreg:s7], $0x6FFFF;
	_ =	strace $0x90000046  }
0xb9: {  	s29 =	simm.s32 $0x9;
	_ =	strace $0x80000048  }
0xba: {  	_ =	swait.ge [sflag:s29], $0x1  }
0xbb: {  	[sflag:s29] =	ssyncadd.s32 $0xFFFFFFFF  }
0xbc: {  	_ =	strace $0x90000048  }
0xbd: {  	_ =	sfence  }
0xbe: {  	s30 =	sld [smem:$0x0];
	_ =	sdelay $0x2  }
0xbf: {  	s31 =	sshll.u32 s1, $0xD;
	s1 =	sshrl.u32 s1, $0x2  }
0xc0: {  	s3 =	sand.u32 $0x4000, s31;
	s1 =	sadd.s32 s1, s30  }
0xc1: {  	s0 =	sor.u32 s3, s0;
	s1 =	sshll.u32 s1, $0x11  }
0xc2: {  	s0 =	sor.u32 s1, s0  }
0xc3: {  	s0 =	sadd.s32 $0x8F2B, s0  }
0xc4: {  	[sflag:s0] =	ssyncadd.remote.s32 $0x1  }
0xc5: {  	_ =	sfence.sel $0xFFFF  }
0xc6: {  	[dreg:$0x0] =	wrdreg $0xFFFFFFFF;
	(pc) =	sbr.abs _section_cstart, $3  }
0xc7: {  	[dreg:$0x1] =	wrdreg $0xFFFFFFFF  }
0xc8: {  	_ =	task.clear_ibuf [dreg:s7], $0x2FFFF;
	_ =	strace $0x9FFFFFFF  }
0xc9: {  	(tm) =	ssettm $0x7FFFFFFF  }
tec
execute0_lowered:
.L_overlay_start_1:
0x0: {  	(tag) =	ssettag $0x1  }
0x1: {  	s5 =	rddreg [dreg:$0x0]  }
0x2: {  	s1 =	srdreg.scid;
	s6 =	rddreg [dreg:$0x1]  }
0x3: {  	s0 =	stileid.u32;
	s2 =	rddreg [dreg:$0x2];
	s3 =	simm.s32 $0x0  }
0x4: {  	s11 =	simm.s32 $0x1;
	s12 =	simm.s32 $0x80;
	s13 =	simm.s32 $0x2A80  }
0x5: {  	s16 =	simm.s32 $0x10;
	s17 =	simm.s32 $0x0;
	s4 =	sand.u32 $0x1, s1  }
0x6: {  	s25 =	sshrl.u32 s0, $0x3;
	s1 =	rddreg [dreg:$0x3];
	s29 =	smul.u32 $0xA00, s0  }
0x7: {  	s9 =	sshll.u32 s0, $0x7;
	[smem:$0x7FF] =	sst s3;
	s7 =	smul.u32 $0x2800, s4  }
0x8: {  	s14 =	sshll.u32 s0, $0x6;
	s8 =	smul.u32 $0x1400, s25;
	s26 =	sand.u32 $0x380, s9  }
0x9: {  	_ =	strace $0x80000047;
	s28 =	sshll.u32 s4, $0x4;
	s4 =	ssub.s32 $0x2, s4  }
0xa: {  	s9 =	simm.s32 $0x2;
	s14 =	sor.u32 $0x1C02, s14;
	s10 =	sshrl.u32 s4, $0x1  }
0xb: {  	s31 =	sshrl.u32 s29, $0x2;
	s7 =	sadd.s32 s7, s8;
	s8 =	sor.u32 s0, s28  }
0xc: {  	s30 =	ssub.s32 s4, s10;
	s7 =	sor.u32 s26, s7;
	s8 =	smul.u32 $0x500, s8  }
0xd: {  	s4 =	sadd.s32 s31, s2;
	s10 =	simm.s32 $0x280;
	s7 =	sshrl.u32 s7, $0x3  }
0xe: {  	s15 =	sshrl.u32 s4, $0x3;
	s6 =	sadd.s32 s7, s6;
	s5 =	sadd.s32 s5, s8  }
0xf: {  	v0 =	vimm.f32 $0.0e+00;
	v1 =	vimm.f32 $1.000000000e+00;
	s7 =	smax.u32 s30, $0x1;
	s8 =	simm.s32 $0x2B00;
	s6 =	sadd.s32 $0x600, s6  }
.LBB2_1:
0x10: {  	[tilespmem:$0x2B00] =	vst v0  }
0x11: {  	[tilespmem:$0x2B10] =	vst v0  }
0x12: {  	[tilespmem:$0x2B20] =	vst v0  }
0x13: {  	[tilespmem:$0x2B30] =	vst v0  }
0x14: {  	[tilespmem:$0x2B40] =	vst v0  }
0x15: {  	[tilespmem:$0x2B50] =	vst v0  }
0x16: {  	[tilespmem:$0x2B60] =	vst v0  }
0x17: {  	[tilespmem:$0x2B70] =	vst v0  }
0x18: {  	[tilespmem:$0x2B80] =	vst v0  }
0x19: {  	[tilespmem:$0x2B90] =	vst v0  }
0x1a: {  	[tilespmem:$0x2BA0] =	vst v0  }
0x1b: {  	[tilespmem:$0x2BB0] =	vst v0  }
0x1c: {  	[tilespmem:$0x2BC0] =	vst v0  }
0x1d: {  	[tilespmem:$0x2BD0] =	vst v0  }
0x1e: {  	[tilespmem:$0x2BE0] =	vst v0  }
0x1f: {  	[tilespmem:$0x2BF0] =	vst v0  }
0x20: {  	[tilespmem:$0x2C00] =	vst v0  }
0x21: {  	[tilespmem:$0x2C10] =	vst v0  }
0x22: {  	[tilespmem:$0x2C20] =	vst v0  }
0x23: {  	[tilespmem:$0x2C30] =	vst v0  }
0x24: {  	[tilespmem:$0x2C40] =	vst v0  }
0x25: {  	[tilespmem:$0x2C50] =	vst v0  }
0x26: {  	[tilespmem:$0x2C60] =	vst v0  }
0x27: {  	[tilespmem:$0x2C70] =	vst v0  }
0x28: {  	[tilespmem:$0x2C80] =	vst v0  }
0x29: {  	[tilespmem:$0x2C90] =	vst v0  }
0x2a: {  	[tilespmem:$0x2CA0] =	vst v0  }
0x2b: {  	[tilespmem:$0x2CB0] =	vst v0  }
0x2c: {  	[tilespmem:$0x2CC0] =	vst v0  }
0x2d: {  	[tilespmem:$0x2CD0] =	vst v0  }
0x2e: {  	[tilespmem:$0x2CE0] =	vst v0  }
0x2f: {  	[tilespmem:$0x2CF0] =	vst v0  }
0x30: {  	[tilespmem:$0x2D00] =	vst v0  }
0x31: {  	[tilespmem:$0x2D10] =	vst v0  }
0x32: {  	[tilespmem:$0x2D20] =	vst v0  }
0x33: {  	[tilespmem:$0x2D30] =	vst v0  }
0x34: {  	[tilespmem:$0x2D40] =	vst v0  }
0x35: {  	[tilespmem:$0x2D50] =	vst v0  }
0x36: {  	[tilespmem:$0x2D60] =	vst v0  }
0x37: {  	[tilespmem:$0x2D70] =	vst v0  }
0x38: {  	[tilespmem:$0x2A80] =	vst v1  }
0x39: {  	[tilespmem:$0x2A90] =	vst v1  }
0x3a: {  	[tilespmem:$0x2AA0] =	vst v1  }
0x3b: {  	[tilespmem:$0x2AB0] =	vst v1  }
0x3c: {  	[tilespmem:$0x2AC0] =	vst v1  }
0x3d: {  	[tilespmem:$0x2AD0] =	vst v1  }
0x3e: {  	[tilespmem:$0x2AE0] =	vst v1  }
0x3f: {  	[tilespmem:$0x2AF0] =	vst v1  }
0x40: {  	[spmem:s4] =	stream.linear.scatter [tilespmem:s8], [sflag:$0x2], $0x280, $0x38;
	[tilespmem:$0x2D80] =	vst v63  }
0x41: {  	_ =	swait.ge [sflag:s9], $0x280  }
0x42: {  	[sflag:s9] =	ssyncset.done $0x0  }
0x43: {  	[sflag:s9] =	ssyncadd.s32 $0xFFFFFD80  }
0x44: {  	[bflag:$0x0] =	sbarrier.arrive $0xFFFF  }
0x45: {  	[tilespmem:s10], [sflag:$0x1] =	stream.linear.gather [hbm4b:s5+s3], $0x2800, $0x38;
	[tilespmem:$0x2D80] =	vst v63  }
0x46: {  	_ =	swait.ge [sflag:s11], $0x2800  }
0x47: {  	[sflag:s11] =	ssyncset.done $0x0  }
0x48: {  	s18 =	simm.s32 $0x280;
	[sflag:s11] =	ssyncadd.s32 $0xFFFFD800  }
0x49: {  	[spmem:s2] =	stream.indirect.scatter.add.f32 [tilespmem:s13], [sflag:$0x2], $0x1, s18, s12, $0xb8;
	[tilespmem:$0x2D80] =	vst v63  }
0x4a: {  	s18 =	simm.s32 $0x200;
	_ =	swait.ge [sflag:s9], $0x80  }
.LBB2_2:
0x4b: {  	s19 =	sshra.s32 s18, $0x2;
	[sflag:s9] =	ssyncset.done $0x0;
	p0 =	sne.s32 s18, $0x9E00  }
.Ltmp0:
0x4c: {  	s19 =	sadd.s32 $0x280, s19;
	[sflag:s9] =	ssyncadd.s32 $0xFFFFFF80;
	(pc) =	sbr.rel @p0 .LBB2_2-.Ltmp0, $3  }
0x4d: {  	[spmem:s2] =	stream.indirect.scatter.add.f32 [tilespmem:s13], [sflag:$0x2], $0x1, s19, s12, $0xb8;
	[tilespmem:$0x2D80] =	vst v63  }
0x4e: {  	s18 =	sadd.s32 $0x200, s18;
	_ =	sdelay $0x1  }
0x4f: {  	_ =	swait.ge [sflag:s9], $0x80  }
0x50: {  	[sflag:s9] =	ssyncset.done $0x0;
	s17 =	sadd.s32 $0x1, s17  }
0x51: {  	[sflag:s9] =	ssyncadd.s32 $0xFFFFFF80;
	p0 =	sne.s32 s17, s7  }
.Ltmp1:
0x52: {  	[bflag:$0x0] =	sbarrier.arrive $0xFFFF;
	(pc) =	sbr.rel @p0 .LBB2_1-.Ltmp1, $4  }
0x53: {  	[hbm:s6@s12], [sflag:s14] =	dma.strided [spmem:s15@s16], $0x50, s11, $0x10   }
0x54: {  	_ =	swait.ge [sflag:s9], $0x50  }
0x55: {  	[sflag:s9] =	ssyncset.done $0x0  }
0x56: {  	[sflag:s9] =	ssyncadd.s32 $0xFFFFFFB0  }
0x57: {  	_ =	sfence.sel $0x180000  }
0x58: {  	[bflag:$0x0] =	sbarrier.arrive $0xFFFF  }
0x59: {  	p0 =	sne.s32 s0, $0x0;
	_ =	strace $0x90000047  }
0x5a: {  	s0 =	sadd.s32 @!p0 $0x100000, s1;
	[bflag:$0x2] =	sbarrier.arrive $0xFFFF  }
0x5b: {  	[sflag:s0] =	ssyncadd.tile.s32 @!p0 $0x1;
	_ =	shalt  }
.Lfunc_end2:
_tile_overlayer_lowered:
.L_overlay_start_2:
0x5c: {  	(tag) =	ssettag $0x2  }
0x5d: {  	s0 =	rddreg [dreg:$0x0];
	s2 =	stileid.u32  }
0x5e: {  	s1 =	rddreg [dreg:$0x1];
	p0 =	sne.s32 s2, $0x0  }
0x5f: {  	s3 =	rddreg [dreg:$0x2];
	[bflag:$0x3] =	sbarrier.arrive $0xFFFF;
	s2 =	simm.s32 @!p0 $0x1C02  }
0x60: {  	[timem:s3], [sflag:s2] =	dma.local @!p0 [hbm:s0], s1  }
0x61: {  	s0 =	simm.s32 @!p0 $0x2  }
0x62: {  	_ =	swait.ge @!p0 [sflag:s0], s1  }
0x63: {  	s1 =	ssub.s32 @!p0 $0x0, s1;
	[sflag:s0] =	ssyncset.done @!p0 $0x0  }
0x64: {  	[sflag:s0] =	ssyncadd.s32 @!p0 s1  }
0x65: {  	[bflag:$0x3] =	sbarrier.arrive $0xFFFF  }
0x66: {  	_ =	shalt  }

// kernel: kernel.9.cloned.1.call-start
scs
__scs_entry_jumppad:
0x0: {  	(pc) =	sbr.rel $0x88, $3  }
0x1: {  	(tag) =	ssettag $0x0;
	lr =	simm.s32 $0x1  }
0x2: {  	[smem:$0x3F9D] =	sst lr;
	_ =	strace $0xD0000000  }
0x3: {  	_ = 	snop  }
0x4: {  	_ = 	snop  }
0x5: {  	_ = 	snop  }
0x6: {  	_ = 	snop  }
0x7: {  	_ = 	snop  }
__scs_overlays_trampoline_lowered:
0x8: {  	[smem:$0x3FAC] =	sst s0  }
0x9: {  	[smem:$0x3FAD] =	sst s1  }
0xa: {  	[smem:$0x3FAE] =	sst s2  }
0xb: {  	[smem:$0x3FAF] =	sst s3  }
0xc: {  	[smem:$0x3FB0] =	sst s4  }
0xd: {  	[smem:$0x3FB1] =	sst s5  }
0xe: {  	[smem:$0x3FB2] =	sst s6  }
0xf: {  	[smem:$0x3FB3] =	sst s7  }
0x10: {  	[smem:$0x3FB4] =	sst s8  }
0x11: {  	[smem:$0x3FB5] =	sst s9;
	s0 =	simm.s32 @!p0 $0x0  }
0x12: {  	s1 =	sld [smem:$0x3F9B];
	s0 =	simm.s32 @p0 $0x1  }
0x13: {  	[smem:$0x3FB6] =	sst s0;
	s0 =	simm.s32 @!p1 $0x0  }
0x14: {  	s2 =	sld [smem:$0x3F9A];
	s0 =	simm.s32 @p1 $0x1  }
0x15: {  	[smem:$0x3FB7] =	sst s0;
	s0 =	simm.s32 @!p2 $0x0  }
0x16: {  	s3 =	sld [smem:$0x3FDB];
	s0 =	simm.s32 @p2 $0x1  }
0x17: {  	s4 =	simm.s32 $0x1BF5;
	[smem:$0x3FB9] =	sst s0  }
0x18: {  	s0 =	sld [smem:$0x3F9C];
	_ =	swait.ge [sflag:s4], $0x0  }
0x19: {  	s7 =	sld [smem:$0x3F9D]  }
0x1a: {  	s8 =	sadd.s32 $0xFFFFE003, lr  }
0x1b: {  	s9 =	sadd.s32 $0xFFFFFEF7, lr;
	s5 =	simm.s32 $0xFFFFFFFF;
	p2 =	slt.u32 s8, $0xFFFFF086  }
0x1c: {  	p1 =	slt.u32 s9, $0xF7A;
	s5 =	simm.s32 @!p2 $0x0  }
0x1d: {  	s5 =	simm.s32 @p1 $0x1;
	p0 =	seq.s32 s7, s2  }
0x1e: {  	s7 =	smul.u32 @!p0 $0xF7A, s2;
	p2 =	seq.s32 @!p0 s5, $0x0  }
0x1f: {  	s9 =	smul.u32 $0xF7A, s1;
	s8 =	simm.s32 @!p0 $0x1BF5;
	p2 =	por !p2, p0  }
0x20: {  	[sflag:s8] =	ssyncset.s32 @!p0 $0xFFFFF086;
	s6 =	sadd.s32 @!p0 s3, s7;
	s7 =	simm.s32 @!p0 $0x108  }
0x21: {  	s3 =	sadd.s32 s3, s9;
	s6 =	sadd.s32 @!p0 $0x88, s6;
	s7 =	simm.s32 @p2 $0x1082  }
0x22: {  	[simem:s7], [sflag:s8] =	dma.local @!p0 [hbm:s6], $0xF7A  }
0x23: {  	s9 =	sor.u32 $0xD0000000, s2;
	s6 =	simm.s32 $0x108;
	_ =	swait.ge @!p0 [sflag:s8], $0x0  }
0x24: {  	s3 =	sadd.s32 $0x88, s3;
	s6 =	simm.s32 @!p1 $0x1082;
	[sflag:s4] =	ssyncset.s32 $0xFFFFF086  }
0x25: {  	[simem:s6], [sflag:s4] =	dma.local [hbm:s3], $0xF7A  }
0x26: {  	[smem:$0x3F9D] =	sst s1;
	(tag) =	ssettag s2;
	_ =	strace s9  }
0x27: {  	s1 =	sld [smem:$0x3FAD]  }
0x28: {  	s2 =	sld [smem:$0x3FAE]  }
0x29: {  	s4 =	sld [smem:$0x3FB0]  }
0x2a: {  	p0 =	seq.s32 s5, $0x0;
	s5 =	sld [smem:$0x3FB1]  }
0x2b: {  	s6 =	sld [smem:$0x3FB2]  }
0x2c: {  	s7 =	sld [smem:$0x3FB3]  }
0x2d: {  	s3 =	simm.s32 $0x108;
	s8 =	sld [smem:$0x3FB4]  }
0x2e: {  	s3 =	simm.s32 @!p0 $0x1082;
	s9 =	sld [smem:$0x3FB5]  }
0x2f: {  	lr =	sadd.s32 s0, s3;
	s0 =	sld [smem:$0x3FAC]  }
0x30: {  	s3 =	sld [smem:$0x3FAF]  }
0x31: {  	[smem:$0x3FB8] =	sst s10  }
0x32: {  	s10 =	sld [smem:$0x3FB6];
	_ =	sdelay $0x3  }
0x33: {  	p0 =	seq.s32 s10, $0x1;
	s10 =	sld [smem:$0x3FB8];
	_ =	sdelay $0x3  }
0x34: {  	[smem:$0x3FB8] =	sst s10  }
0x35: {  	s10 =	sld [smem:$0x3FB7];
	_ =	sdelay $0x3  }
0x36: {  	p1 =	seq.s32 s10, $0x1;
	s10 =	sld [smem:$0x3FB8];
	_ =	sdelay $0x3  }
0x37: {  	[smem:$0x3FB8] =	sst s10  }
0x38: {  	s10 =	sld [smem:$0x3FB9]  }
0x39: {  	_ = 	snop;
	(pc) =	sbr.ind lr, $3  }
0x3a: {  	_ = 	snop  }
0x3b: {  	_ = 	snop  }
0x3c: {  	p2 =	seq.s32 s10, $0x1;
	s10 =	sld [smem:$0x3FB8]  }
0x3d: {  	_ =	shalt  }
0x3e: {  	_ =	shalt  }
0x3f: {  	_ =	shalt  }
0x40: {  	_ =	shalt  }
0x41: {  	_ =	shalt  }
0x42: {  	_ =	shalt  }
0x43: {  	_ =	shalt  }
0x44: {  	_ =	shalt  }
0x45: {  	_ =	shalt  }
0x46: {  	_ =	shalt  }
0x47: {  	_ =	shalt  }
0x48: {  	_ =	shalt  }
0x49: {  	_ =	shalt  }
0x4a: {  	_ =	shalt  }
0x4b: {  	_ =	shalt  }
0x4c: {  	_ =	shalt  }
0x4d: {  	_ =	shalt  }
0x4e: {  	_ =	shalt  }
0x4f: {  	_ =	shalt  }
0x50: {  	_ =	shalt  }
0x51: {  	_ =	shalt  }
0x52: {  	_ =	shalt  }
0x53: {  	_ =	shalt  }
0x54: {  	_ =	shalt  }
0x55: {  	_ =	shalt  }
0x56: {  	_ =	shalt  }
0x57: {  	_ =	shalt  }
0x58: {  	_ =	shalt  }
0x59: {  	_ =	shalt  }
0x5a: {  	_ =	shalt  }
0x5b: {  	_ =	shalt  }
0x5c: {  	_ =	shalt  }
0x5d: {  	_ =	shalt  }
0x5e: {  	_ =	shalt  }
0x5f: {  	_ =	shalt  }
0x60: {  	_ =	shalt  }
0x61: {  	_ =	shalt  }
0x62: {  	_ =	shalt  }
0x63: {  	_ =	shalt  }
0x64: {  	_ =	shalt  }
0x65: {  	_ =	shalt  }
0x66: {  	_ =	shalt  }
0x67: {  	_ =	shalt  }
0x68: {  	_ =	shalt  }
0x69: {  	_ =	shalt  }
0x6a: {  	_ =	shalt  }
0x6b: {  	_ =	shalt  }
0x6c: {  	_ =	shalt  }
0x6d: {  	_ =	shalt  }
0x6e: {  	_ =	shalt  }
0x6f: {  	_ =	shalt  }
0x70: {  	_ =	shalt  }
0x71: {  	_ =	shalt  }
0x72: {  	_ =	shalt  }
0x73: {  	_ =	shalt  }
0x74: {  	_ =	shalt  }
0x75: {  	_ =	shalt  }
0x76: {  	_ =	shalt  }
0x77: {  	_ =	shalt  }
0x78: {  	_ =	shalt  }
0x79: {  	_ =	shalt  }
0x7a: {  	_ =	shalt  }
0x7b: {  	_ =	shalt  }
0x7c: {  	_ =	shalt  }
0x7d: {  	_ =	shalt  }
0x7e: {  	_ =	shalt  }
0x7f: {  	_ =	shalt  }
0x80: {  	_ =	shalt  }
0x81: {  	_ =	shalt  }
0x82: {  	_ =	shalt  }
0x83: {  	_ =	shalt  }
0x84: {  	_ =	shalt  }
0x85: {  	_ =	shalt  }
0x86: {  	_ =	shalt  }
0x87: {  	_ =	shalt  }
.Lfunc_end0:
.L_simem_size_0:
called_computation.1_lowered:
.L_overlay_start_0:
0x88: {  	s2 =	sld [smem:$0x3FD9]  }
0x89: {  	s3 =	sld [smem:$0x3FFE];
	_ =	sdelay $0x1  }
0x8a: {  	s1 =	srdreg.scid  }
0x8b: {  	s0 =	sand.u32 $0x1, s1  }
0x8c: {  	s14 =	sshll.u32 s0, $0xA;
	s2 =	sadd.s32 s3, s2  }
0x8d: {  	s2 =	sadd.s32 s2, s14  }
0x8e: {  	[smem:$0x3FC4] =	sst s2  }
0x8f: {  	_ = 	snop  }
0x90: {  	s2 =	sld [smem:$0x3FD0];
	_ =	sdelay $0x2  }
0x91: {  	s15 =	simm.s32 $0xA;
	s4 =	simm.s32 $0x10  }
0x92: {  	[smem:s4], [sflag:s15] =	dma.local [hbm:s2], $0x1  }
0x93: {  	_ =	swait.eq [sflag:s15], $0x1  }
0x94: {  	[sflag:s15] =	ssyncset.done $0x0  }
0x95: {  	s16 =	sld [smem:$0x10];
	[sflag:s15] =	ssyncadd.s32 $0xFFFFFFFF  }
0x96: {  	s17 =	sld [smem:$0x11];
	(tm) =	ssettm $0x1  }
0x97: {  	s18 =	sld [smem:$0x3FFB];
	_ =	sdelay $0x3  }
0x98: {  	_ =	strace s18  }
0x99: {  	s4 =	sld [smem:$0x3FFC];
	_ =	sdelay $0x3  }
0x9a: {  	_ =	strace s4  }
0x9b: {  	s4 =	sld [smem:$0x3FFD];
	_ =	sdelay $0x3  }
0x9c: {  	_ =	strace s4  }
0x9d: {  	_ =	strace $0x8FFFFFFF  }
0x9e: {  	s19 =	sld [smem:$0x3FDB];
	_ =	sdelay $0x1  }
0x9f: {  	s5 =	simm.s32 $_scs_section_size  }
0xa0: {  	s6 =	simm.s32 $_size__tile_overlayer_lowered;
	s7 =	simm.s32 $_tile_overlayer_lowered  }
0xa1: {  	s22 =	simm.s32 $0x1BFF;
	s21 =	sshll.u32 s7, $0x1;
	s4 =	sadd.s32 s5, s19  }
0xa2: {  	s8 =	simm.s32 $0x0;
	s20 =	sshll.u32 s6, $0x1;
	s6 =	sadd.s32 s21, s4  }
0xa3: {  	[timem:s8], [sflag:s22] =	dma.local [hbm:s6], s20  }
0xa4: {  	_ =	swait.ge [sflag:s22], s20  }
0xa5: {  	s5 =	ssub.s32 $0x0, s20;
	[sflag:s22] =	ssyncset.done $0x0  }
0xa6: {  	[sflag:s22] =	ssyncadd.s32 s5;
	_ =	sdelay $0x1  }
0xa7: {  	s23 =	simm.s32 $0x1B8B  }
0xa8: {  	_ =	swait.ge [sflag:s23], $0x1  }
0xa9: {  	[sflag:s23] =	ssyncset.done $0x0  }
0xaa: {  	s25 =	simm.s32 $0x1B8E;
	s24 =	sld [smem:$0x3FFE];
	[sflag:s23] =	ssyncadd.s32 $0xFFFFFFFF  }
0xab: {  	s26 =	simm.s32 $execute0_lowered;
	[smem:$0x3FD2] =	sst s25  }
0xac: {  	s6 =	sshll.u32 s26, $0x1;
	_ =	strace $0x80000049;
	[dreg:$0x1] =	wrdreg $0xFFFFFFFF  }
0xad: {  	s28 =	simm.s32 $_size_execute0_lowered;
	s4 =	sadd.s32 s4, s6;
	[dreg:$0x0] =	wrdreg $0x0  }
0xae: {  	s6 =	sshll.u32 s28, $0x1;
	[dreg:$0x2] =	wrdreg s4  }
0xaf: {  	[dreg:$0x3] =	wrdreg s6  }
0xb0: {  	[dreg:$0x4] =	wrdreg $0xC0  }
0xb1: {  	_ =	task [dreg:s8], $0x5FFFF  }
0xb2: {  	[dreg:$0x1] =	wrdreg $0xFFFFFFFF  }
0xb3: {  	[dreg:$0x0] =	wrdreg $0x60  }
0xb4: {  	[dreg:$0x2] =	wrdreg s17  }
0xb5: {  	[dreg:$0x3] =	wrdreg s16  }
0xb6: {  	[dreg:$0x4] =	wrdreg s24  }
0xb7: {  	[dreg:$0x5] =	wrdreg $0x0  }
0xb8: {  	[dreg:$0x6] =	wrdreg $0x9  }
0xb9: {  	_ =	task.clear_ibuf [dreg:s8], $0x7FFFF;
	_ =	strace $0x90000049  }
0xba: {  	s29 =	simm.s32 $0x9;
	_ =	strace $0x8000004B  }
0xbb: {  	_ =	swait.ge [sflag:s29], $0x1  }
0xbc: {  	[sflag:s29] =	ssyncadd.s32 $0xFFFFFFFF  }
0xbd: {  	_ =	strace $0x9000004B  }
0xbe: {  	_ =	sfence  }
0xbf: {  	s30 =	sld [smem:$0x0];
	_ =	sdelay $0x2  }
0xc0: {  	s31 =	sshll.u32 s1, $0xD;
	s1 =	sshrl.u32 s1, $0x2  }
0xc1: {  	s3 =	sand.u32 $0x4000, s31;
	s1 =	sadd.s32 s1, s30  }
0xc2: {  	s0 =	sor.u32 s3, s0;
	s1 =	sshll.u32 s1, $0x11  }
0xc3: {  	s0 =	sor.u32 s1, s0  }
0xc4: {  	s0 =	sadd.s32 $0x8F2B, s0  }
0xc5: {  	[sflag:s0] =	ssyncadd.remote.s32 $0x1  }
0xc6: {  	_ =	sfence.sel $0xFFFF  }
0xc7: {  	[dreg:$0x0] =	wrdreg $0xFFFFFFFF;
	(pc) =	sbr.abs _section_cstart, $3  }
0xc8: {  	[dreg:$0x1] =	wrdreg $0xFFFFFFFF  }
0xc9: {  	_ =	task.clear_ibuf [dreg:s8], $0x2FFFF;
	_ =	strace $0x9FFFFFFF  }
0xca: {  	(tm) =	ssettm $0x7FFFFFFF  }
0xcb: {  	_ =	shalt  }
tec
execute0_lowered:
.L_overlay_start_1:
0x0: {  	(tag) =	ssettag $0x1  }
0x1: {  	s0 =	rddreg [dreg:$0x0]  }
0x2: {  	s9 =	rddreg [dreg:$0x1]  }
0x3: {  	s5 =	rddreg [dreg:$0x2]  }
0x4: {  	s1 =	rddreg [dreg:$0x3];
	s2 =	srdreg.scid;
	s3 =	simm.s32 $0x0  }
0x5: {  	s23 =	stileid.u32;
	s16 =	simm.s32 $0x16800;
	s17 =	simm.s32 $0x4  }
0x6: {  	s18 =	simm.s32 $0x14000;
	s19 =	simm.s32 $0x15400;
	s20 =	simm.s32 $0x2  }
0x7: {  	s21 =	simm.s32 $0x3;
	s22 =	simm.s32 $0x80;
	s28 =	simm.s32 $0x16780  }
0x8: {  	s29 =	simm.s32 $0x0;
	s6 =	sand.u32 $0x1, s2;
	s8 =	smul.u32 $0x14000, s23  }
0x9: {  	[smem:$0x7FF] =	sst s3;
	s4 =	sadd.s32 $0x28200, s5;
	s10 =	smul.u32 $0x50000, s23  }
0xa: {  	s7 =	smul.u32 $0x140000, s6;
	_ =	strace $0x8000004A;
	s25 =	ssub.s32 $0x2, s6  }
0xb: {  	s24 =	sshll.u32 s6, $0x4;
	s30 =	sshrl.u32 s25, $0x1;
	s10 =	sshrl.u32 s10, $0x2  }
0xc: {  	s7 =	sadd.s32 s8, s7;
	s8 =	sor.u32 s23, s24;
	s12 =	ssub.s32 s25, s30  }
0xd: {  	s23 =	simm.s32 $0x1A800;
	s24 =	simm.s32 $0x1;
	s26 =	smul.u32 $0x2800, s8  }
0xe: {  	s25 =	simm.s32 $0x15380;
	s7 =	sshrl.u32 s7, $0x3;
	s8 =	smul.u32 $0x500, s8  }
0xf: {  	s11 =	sadd.s32 s7, s5;
	s5 =	sadd.s32 s10, s1;
	s31 =	sshrl.u32 s26, $0x3  }
0x10: {  	s6 =	sadd.s32 s0, s8;
	s7 =	sadd.s32 s9, s8;
	s13 =	sadd.s32 $0x8000, s5  }
0x11: {  	s14 =	sadd.s32 $0xC000, s5;
	s15 =	sadd.s32 $0x10000, s5;
	s10 =	sadd.s32 $0x280, s31  }
0x12: {  	s26 =	simm.s32 $0x16700;
	s8 =	sadd.s32 s0, s10;
	s9 =	sadd.s32 s9, s10  }
0x13: {  	v0 =	vimm.f32 $0.0e+00;
	s10 =	sadd.s32 $0x4F400, s11;
	s11 =	smax.u32 s12, $0x1;
	s12 =	sadd.s32 $0x4000, s5  }
.LBB2_1:
0x14: {  	s2 =	simm.s32 $0x0  }
0x15: {  	s0 =	sand.u32 $0xFE00, s2  }
0x16: {  	s31 =	sand.u32 $0x70, s2;
	s0 =	sshrl.u32 s0, $0x2  }
0x17: {  	s30 =	simm.s32 $0x40;
	s0 =	sor.u32 s31, s0;
	s31 =	simm.s32 $0x0  }
.LBB2_2:
0x18: {  	p0 =	sne.s32 s30, $0xFFC0  }
0x19: {  	[tilespmem:s0+$0x16800] =	vst v0;
	s31 =	sadd.s32 $0x10, s31;
	s0 =	smov.u32 s30;
	s30 =	sadd.s32 $0x40, s30  }
.Ltmp0:
0x1a: {  	(pc) =	sbr.rel @p0 .LBB2_2-.Ltmp0, $4  }
0x1b: {  	_ = 	snop  }
0x1c: {  	s0 =	sand.u32 $0xFE00, s0  }
0x1d: {  	s2 =	sand.u32 $0x70, s31;
	s0 =	sshrl.u32 s0, $0x2  }
0x1e: {  	s0 =	sor.u32 s2, s0  }
0x1f: {  	[tilespmem:s0+$0x16800] =	vst v0  }
0x20: {  	[spmem:s5] =	stream.linear.scatter [tilespmem:s16], [sflag:$0x4], $0x4000, $0x38;
	[tilespmem:$0x1E800] =	vst v63  }
0x21: {  	_ =	swait.ge [sflag:s17], $0x4000  }
0x22: {  	[sflag:s17] =	ssyncset.done $0x0  }
0x23: {  	[sflag:s17] =	ssyncadd.s32 $0xFFFFC000  }
0x24: {  	[spmem:s12] =	stream.linear.scatter [tilespmem:s16], [sflag:$0x4], $0x4000, $0x38;
	[tilespmem:$0x1E800] =	vst v63  }
0x25: {  	_ =	swait.ge [sflag:s17], $0x4000  }
0x26: {  	[sflag:s17] =	ssyncset.done $0x0  }
0x27: {  	[sflag:s17] =	ssyncadd.s32 $0xFFFFC000  }
0x28: {  	[spmem:s13] =	stream.linear.scatter [tilespmem:s16], [sflag:$0x4], $0x4000, $0x38;
	[tilespmem:$0x1E800] =	vst v63  }
0x29: {  	_ =	swait.ge [sflag:s17], $0x4000  }
0x2a: {  	[sflag:s17] =	ssyncset.done $0x0  }
0x2b: {  	[sflag:s17] =	ssyncadd.s32 $0xFFFFC000  }
0x2c: {  	[spmem:s14] =	stream.linear.scatter [tilespmem:s16], [sflag:$0x4], $0x4000, $0x38;
	[tilespmem:$0x1E800] =	vst v63  }
0x2d: {  	_ =	swait.ge [sflag:s17], $0x4000  }
0x2e: {  	[sflag:s17] =	ssyncset.done $0x0  }
0x2f: {  	[sflag:s17] =	ssyncadd.s32 $0xFFFFC000  }
0x30: {  	[spmem:s15] =	stream.linear.scatter [tilespmem:s16], [sflag:$0x4], $0x4000, $0x38;
	[tilespmem:$0x1E800] =	vst v63  }
0x31: {  	_ =	swait.ge [sflag:s17], $0x4000  }
0x32: {  	[sflag:s17] =	ssyncset.done $0x0  }
0x33: {  	[sflag:s17] =	ssyncadd.s32 $0xFFFFC000  }
0x34: {  	s3 =	simm.s32 $0x0;
	[bflag:$0x0] =	sbarrier.arrive $0xFFFF  }
0x35: {  	[tilespmem:s18], [sflag:$0x3] =	stream.linear.gather [hbm4b:s6+s3], $0x1400, $0x38;
	[tilespmem:$0x1E800] =	vst v63  }
0x36: {  	_ = 	snop  }
0x37: {  	[tilespmem:s19], [sflag:$0x2] =	stream.linear.gather [hbm4b:s7+s3], $0x1400, $0x38;
	[tilespmem:$0x1E800] =	vst v63  }
0x38: {  	_ =	swait.ge [sflag:s20], $0x1400  }
0x39: {  	[sflag:s20] =	ssyncset.done $0x0  }
0x3a: {  	[sflag:s20] =	ssyncadd.s32 $0xFFFFEC00  }
0x3b: {  	_ =	swait.ge [sflag:s21], $0x1400  }
0x3c: {  	[sflag:s21] =	ssyncset.done $0x0  }
0x3d: {  	[sflag:s21] =	ssyncadd.s32 $0xFFFFEC00  }
0x3e: {  	[tilespmem:s16], [sflag:$0x1] =	stream.indirect.gather [hbm4b:s4+s22], $0x80, s18, s22, $0xb8;
	[tilespmem:$0x1E800] =	vst v63  }
0x3f: {  	s2 =	simm.s32 $0x14080  }
0x40: {  	[tilespmem:s23], [sflag:$0x2] =	stream.indirect.gather [hbm4b:s4+s22], $0x80, s2, s22, $0xb8;
	[tilespmem:$0x1E800] =	vst v63  }
0x41: {  	_ =	swait.ge [sflag:s24], $0x4000  }
0x42: {  	[sflag:s24] =	ssyncset.done $0x0  }
0x43: {  	s3 =	simm.s32 $0x15400;
	[sflag:s24] =	ssyncadd.s32 $0xFFFFC000  }
0x44: {  	[spmem:s1] =	stream.indirect.scatter.add.f32 [tilespmem:s16], [sflag:$0x4], $0x80, s3, s22, $0xb8;
	[tilespmem:$0x1E800] =	vst v63  }
0x45: {  	_ =	swait.ge [sflag:s17], $0x4000  }
0x46: {  	[sflag:s17] =	ssyncset.done $0x0  }
0x47: {  	s2 =	simm.s32 $0x14100;
	[sflag:s17] =	ssyncadd.s32 $0xFFFFC000  }
0x48: {  	[tilespmem:s16], [sflag:$0x1] =	stream.indirect.gather [hbm4b:s4+s22], $0x80, s2, s22, $0xb8;
	[tilespmem:$0x1E800] =	vst v63  }
0x49: {  	_ =	swait.ge [sflag:s20], $0x4000  }
0x4a: {  	[sflag:s20] =	ssyncset.done $0x0  }
0x4b: {  	s3 =	simm.s32 $0x15480;
	[sflag:s20] =	ssyncadd.s32 $0xFFFFC000  }
0x4c: {  	[spmem:s1] =	stream.indirect.scatter.add.f32 [tilespmem:s23], [sflag:$0x4], $0x80, s3, s22, $0xb8;
	[tilespmem:$0x1E800] =	vst v63  }
0x4d: {  	_ =	swait.ge [sflag:s17], $0x4000  }
0x4e: {  	s31 =	simm.s32 $0x800;
	s30 =	simm.s32 $0x100;
	[sflag:s17] =	ssyncset.done $0x0  }
.LBB2_4:
0x4f: {  	s0 =	sadd.s32 $0x14080, s30  }
0x50: {  	[sflag:s17] =	ssyncadd.s32 $0xFFFFC000;
	s2 =	smov.u32 s31;
	s3 =	sadd.s32 $0x400, s31  }
0x51: {  	[tilespmem:s23], [sflag:$0x2] =	stream.indirect.gather [hbm4b:s4+s22], $0x80, s0, s22, $0xb8;
	[tilespmem:$0x1E800] =	vst v63  }
0x52: {  	p0 =	sne.s32 s31, $0x4800;
	_ =	swait.ge [sflag:s24], $0x4000  }
0x53: {  	[sflag:s24] =	ssyncset.done $0x0  }
0x54: {  	s0 =	sadd.s32 $0x15400, s30;
	[sflag:s24] =	ssyncadd.s32 $0xFFFFC000  }
0x55: {  	[spmem:s1] =	stream.indirect.scatter.add.f32 [tilespmem:s16], [sflag:$0x4], $0x80, s0, s22, $0xb8;
	[tilespmem:$0x1E800] =	vst v63  }
0x56: {  	_ =	swait.ge [sflag:s17], $0x4000  }
0x57: {  	[sflag:s17] =	ssyncset.done $0x0  }
0x58: {  	s0 =	sadd.s32 $0x14100, s30;
	[sflag:s17] =	ssyncadd.s32 $0xFFFFC000  }
0x59: {  	[tilespmem:s16], [sflag:$0x1] =	stream.indirect.gather [hbm4b:s4+s22], $0x80, s0, s22, $0xb8;
	[tilespmem:$0x1E800] =	vst v63  }
0x5a: {  	_ =	swait.ge [sflag:s20], $0x4000  }
.Ltmp1:
0x5b: {  	[sflag:s20] =	ssyncset.done $0x0;
	(pc) =	sbr.rel @p0 .LBB2_4-.Ltmp1, $4  }
0x5c: {  	s0 =	sadd.s32 $0x15480, s30;
	[sflag:s20] =	ssyncadd.s32 $0xFFFFC000  }
0x5d: {  	[spmem:s1] =	stream.indirect.scatter.add.f32 [tilespmem:s23], [sflag:$0x4], $0x80, s0, s22, $0xb8;
	[tilespmem:$0x1E800] =	vst v63  }
0x5e: {  	_ =	swait.ge [sflag:s17], $0x4000  }
0x5f: {  	s31 =	smov.u32 s3;
	s30 =	sshra.s32 s2, $0x2;
	[sflag:s17] =	ssyncset.done $0x0  }
0x60: {  	s0 =	sadd.s32 $0x14080, s30;
	[sflag:s17] =	ssyncadd.s32 $0xFFFFC000  }
0x61: {  	[tilespmem:s23], [sflag:$0x2] =	stream.indirect.gather [hbm4b:s4+s22], $0x80, s0, s22, $0xb8;
	[tilespmem:$0x1E800] =	vst v63  }
0x62: {  	_ =	swait.ge [sflag:s24], $0x4000  }
0x63: {  	[sflag:s24] =	ssyncset.done $0x0  }
0x64: {  	s2 =	sadd.s32 $0x15400, s30;
	[sflag:s24] =	ssyncadd.s32 $0xFFFFC000  }
0x65: {  	[spmem:s1] =	stream.indirect.scatter.add.f32 [tilespmem:s16], [sflag:$0x4], $0x80, s2, s22, $0xb8;
	[tilespmem:$0x1E800] =	vst v63  }
0x66: {  	_ =	swait.ge [sflag:s17], $0x4000  }
0x67: {  	[sflag:s17] =	ssyncset.done $0x0  }
0x68: {  	s3 =	sadd.s32 $0x14100, s30;
	[sflag:s17] =	ssyncadd.s32 $0xFFFFC000  }
0x69: {  	[tilespmem:s16], [sflag:$0x1] =	stream.indirect.gather [hbm4b:s4+s22], $0x80, s3, s22, $0xb8;
	[tilespmem:$0x1E800] =	vst v63  }
0x6a: {  	_ =	swait.ge [sflag:s20], $0x4000  }
0x6b: {  	[sflag:s20] =	ssyncset.done $0x0  }
0x6c: {  	s2 =	sadd.s32 $0x15480, s30;
	[sflag:s20] =	ssyncadd.s32 $0xFFFFC000  }
0x6d: {  	[spmem:s1] =	stream.indirect.scatter.add.f32 [tilespmem:s23], [sflag:$0x4], $0x80, s2, s22, $0xb8;
	[tilespmem:$0x1E800] =	vst v63  }
0x6e: {  	_ =	swait.ge [sflag:s17], $0x4000  }
0x6f: {  	[sflag:s17] =	ssyncset.done $0x0  }
0x70: {  	[sflag:s17] =	ssyncadd.s32 $0xFFFFC000  }
0x71: {  	[tilespmem:s23], [sflag:$0x2] =	stream.indirect.gather [hbm4b:s4+s22], $0x80, s25, s22, $0xb8;
	[tilespmem:$0x1E800] =	vst v63  }
0x72: {  	_ =	swait.ge [sflag:s24], $0x4000  }
0x73: {  	[sflag:s24] =	ssyncset.done $0x0  }
0x74: {  	[sflag:s24] =	ssyncadd.s32 $0xFFFFC000  }
0x75: {  	[spmem:s1] =	stream.indirect.scatter.add.f32 [tilespmem:s16], [sflag:$0x4], $0x80, s26, s22, $0xb8;
	[tilespmem:$0x1E800] =	vst v63  }
0x76: {  	_ =	swait.ge [sflag:s17], $0x4000  }
0x77: {  	[sflag:s17] =	ssyncset.done $0x0  }
0x78: {  	[sflag:s17] =	ssyncadd.s32 $0xFFFFC000  }
0x79: {  	_ =	swait.ge [sflag:s20], $0x4000  }
0x7a: {  	[sflag:s20] =	ssyncset.done $0x0  }
0x7b: {  	[sflag:s20] =	ssyncadd.s32 $0xFFFFC000  }
0x7c: {  	[spmem:s1] =	stream.indirect.scatter.add.f32 [tilespmem:s23], [sflag:$0x4], $0x80, s28, s22, $0xb8;
	[tilespmem:$0x1E800] =	vst v63  }
0x7d: {  	_ =	swait.ge [sflag:s17], $0x4000  }
0x7e: {  	[sflag:s17] =	ssyncset.done $0x0  }
0x7f: {  	s3 =	simm.s32 $0x0;
	[sflag:s17] =	ssyncadd.s32 $0xFFFFC000  }
0x80: {  	[tilespmem:s18], [sflag:$0x3] =	stream.linear.gather [hbm4b:s8+s3], $0x1400, $0x38;
	[tilespmem:$0x1E800] =	vst v63  }
0x81: {  	_ = 	snop  }
0x82: {  	[tilespmem:s19], [sflag:$0x2] =	stream.linear.gather [hbm4b:s9+s3], $0x1400, $0x38;
	[tilespmem:$0x1E800] =	vst v63  }
0x83: {  	_ =	swait.ge [sflag:s20], $0x1400  }
0x84: {  	[sflag:s20] =	ssyncset.done $0x0  }
0x85: {  	[sflag:s20] =	ssyncadd.s32 $0xFFFFEC00  }
0x86: {  	_ =	swait.ge [sflag:s21], $0x1400  }
0x87: {  	[sflag:s21] =	ssyncset.done $0x0  }
0x88: {  	[sflag:s21] =	ssyncadd.s32 $0xFFFFEC00  }
0x89: {  	[tilespmem:s16], [sflag:$0x1] =	stream.indirect.gather [hbm4b:s4+s22], $0x80, s18, s22, $0xb8;
	[tilespmem:$0x1E800] =	vst v63  }
0x8a: {  	s2 =	simm.s32 $0x14080  }
0x8b: {  	[tilespmem:s23], [sflag:$0x2] =	stream.indirect.gather [hbm4b:s4+s22], $0x80, s2, s22, $0xb8;
	[tilespmem:$0x1E800] =	vst v63  }
0x8c: {  	_ =	swait.ge [sflag:s24], $0x4000  }
0x8d: {  	[sflag:s24] =	ssyncset.done $0x0  }
0x8e: {  	s3 =	simm.s32 $0x15400;
	[sflag:s24] =	ssyncadd.s32 $0xFFFFC000  }
0x8f: {  	[spmem:s1] =	stream.indirect.scatter.add.f32 [tilespmem:s16], [sflag:$0x4], $0x80, s3, s22, $0xb8;
	[tilespmem:$0x1E800] =	vst v63  }
0x90: {  	_ =	swait.ge [sflag:s17], $0x4000  }
0x91: {  	[sflag:s17] =	ssyncset.done $0x0  }
0x92: {  	s2 =	simm.s32 $0x14100;
	[sflag:s17] =	ssyncadd.s32 $0xFFFFC000  }
0x93: {  	[tilespmem:s16], [sflag:$0x1] =	stream.indirect.gather [hbm4b:s4+s22], $0x80, s2, s22, $0xb8;
	[tilespmem:$0x1E800] =	vst v63  }
0x94: {  	_ =	swait.ge [sflag:s20], $0x4000  }
0x95: {  	[sflag:s20] =	ssyncset.done $0x0  }
0x96: {  	s3 =	simm.s32 $0x15480;
	[sflag:s20] =	ssyncadd.s32 $0xFFFFC000  }
0x97: {  	[spmem:s1] =	stream.indirect.scatter.add.f32 [tilespmem:s23], [sflag:$0x4], $0x80, s3, s22, $0xb8;
	[tilespmem:$0x1E800] =	vst v63  }
0x98: {  	_ =	swait.ge [sflag:s17], $0x4000  }
0x99: {  	s31 =	simm.s32 $0x800;
	s30 =	simm.s32 $0x100;
	[sflag:s17] =	ssyncset.done $0x0  }
.LBB2_6:
0x9a: {  	s0 =	sadd.s32 $0x14080, s30  }
0x9b: {  	[sflag:s17] =	ssyncadd.s32 $0xFFFFC000;
	s2 =	smov.u32 s31;
	s3 =	sadd.s32 $0x400, s31  }
0x9c: {  	[tilespmem:s23], [sflag:$0x2] =	stream.indirect.gather [hbm4b:s4+s22], $0x80, s0, s22, $0xb8;
	[tilespmem:$0x1E800] =	vst v63  }
0x9d: {  	p0 =	sne.s32 s31, $0x4800;
	_ =	swait.ge [sflag:s24], $0x4000  }
0x9e: {  	[sflag:s24] =	ssyncset.done $0x0  }
0x9f: {  	s0 =	sadd.s32 $0x15400, s30;
	[sflag:s24] =	ssyncadd.s32 $0xFFFFC000  }
0xa0: {  	[spmem:s1] =	stream.indirect.scatter.add.f32 [tilespmem:s16], [sflag:$0x4], $0x80, s0, s22, $0xb8;
	[tilespmem:$0x1E800] =	vst v63  }
0xa1: {  	_ =	swait.ge [sflag:s17], $0x4000  }
0xa2: {  	[sflag:s17] =	ssyncset.done $0x0  }
0xa3: {  	s0 =	sadd.s32 $0x14100, s30;
	[sflag:s17] =	ssyncadd.s32 $0xFFFFC000  }
0xa4: {  	[tilespmem:s16], [sflag:$0x1] =	stream.indirect.gather [hbm4b:s4+s22], $0x80, s0, s22, $0xb8;
	[tilespmem:$0x1E800] =	vst v63  }
0xa5: {  	_ =	swait.ge [sflag:s20], $0x4000  }
.Ltmp2:
0xa6: {  	[sflag:s20] =	ssyncset.done $0x0;
	(pc) =	sbr.rel @p0 .LBB2_6-.Ltmp2, $4  }
0xa7: {  	s0 =	sadd.s32 $0x15480, s30;
	[sflag:s20] =	ssyncadd.s32 $0xFFFFC000  }
0xa8: {  	[spmem:s1] =	stream.indirect.scatter.add.f32 [tilespmem:s23], [sflag:$0x4], $0x80, s0, s22, $0xb8;
	[tilespmem:$0x1E800] =	vst v63  }
0xa9: {  	_ =	swait.ge [sflag:s17], $0x4000  }
0xaa: {  	s31 =	smov.u32 s3;
	s30 =	sshra.s32 s2, $0x2;
	[sflag:s17] =	ssyncset.done $0x0  }
0xab: {  	s0 =	sadd.s32 $0x14080, s30;
	[sflag:s17] =	ssyncadd.s32 $0xFFFFC000  }
0xac: {  	[tilespmem:s23], [sflag:$0x2] =	stream.indirect.gather [hbm4b:s4+s22], $0x80, s0, s22, $0xb8;
	[tilespmem:$0x1E800] =	vst v63  }
0xad: {  	_ =	swait.ge [sflag:s24], $0x4000  }
0xae: {  	[sflag:s24] =	ssyncset.done $0x0  }
0xaf: {  	s2 =	sadd.s32 $0x15400, s30;
	[sflag:s24] =	ssyncadd.s32 $0xFFFFC000  }
0xb0: {  	[spmem:s1] =	stream.indirect.scatter.add.f32 [tilespmem:s16], [sflag:$0x4], $0x80, s2, s22, $0xb8;
	[tilespmem:$0x1E800] =	vst v63  }
0xb1: {  	_ =	swait.ge [sflag:s17], $0x4000  }
0xb2: {  	[sflag:s17] =	ssyncset.done $0x0  }
0xb3: {  	s3 =	sadd.s32 $0x14100, s30;
	[sflag:s17] =	ssyncadd.s32 $0xFFFFC000  }
0xb4: {  	[tilespmem:s16], [sflag:$0x1] =	stream.indirect.gather [hbm4b:s4+s22], $0x80, s3, s22, $0xb8;
	[tilespmem:$0x1E800] =	vst v63  }
0xb5: {  	_ =	swait.ge [sflag:s20], $0x4000  }
0xb6: {  	[sflag:s20] =	ssyncset.done $0x0  }
0xb7: {  	s30 =	sadd.s32 $0x15480, s30;
	[sflag:s20] =	ssyncadd.s32 $0xFFFFC000  }
0xb8: {  	[spmem:s1] =	stream.indirect.scatter.add.f32 [tilespmem:s23], [sflag:$0x4], $0x80, s30, s22, $0xb8;
	[tilespmem:$0x1E800] =	vst v63  }
0xb9: {  	_ =	swait.ge [sflag:s17], $0x4000  }
0xba: {  	[sflag:s17] =	ssyncset.done $0x0  }
0xbb: {  	[sflag:s17] =	ssyncadd.s32 $0xFFFFC000  }
0xbc: {  	[tilespmem:s23], [sflag:$0x2] =	stream.indirect.gather [hbm4b:s4+s22], $0x80, s25, s22, $0xb8;
	[tilespmem:$0x1E800] =	vst v63  }
0xbd: {  	_ =	swait.ge [sflag:s24], $0x4000  }
0xbe: {  	[sflag:s24] =	ssyncset.done $0x0  }
0xbf: {  	[sflag:s24] =	ssyncadd.s32 $0xFFFFC000  }
0xc0: {  	[spmem:s1] =	stream.indirect.scatter.add.f32 [tilespmem:s16], [sflag:$0x4], $0x80, s26, s22, $0xb8;
	[tilespmem:$0x1E800] =	vst v63  }
0xc1: {  	_ =	swait.ge [sflag:s17], $0x4000  }
0xc2: {  	[sflag:s17] =	ssyncset.done $0x0  }
0xc3: {  	[sflag:s17] =	ssyncadd.s32 $0xFFFFC000  }
0xc4: {  	_ =	swait.ge [sflag:s20], $0x4000  }
0xc5: {  	[sflag:s20] =	ssyncset.done $0x0  }
0xc6: {  	[sflag:s20] =	ssyncadd.s32 $0xFFFFC000  }
0xc7: {  	[spmem:s1] =	stream.indirect.scatter.add.f32 [tilespmem:s23], [sflag:$0x4], $0x80, s28, s22, $0xb8;
	[tilespmem:$0x1E800] =	vst v63  }
0xc8: {  	s31 =	stileid.u32;
	_ =	swait.ge [sflag:s17], $0x4000  }
0xc9: {  	s29 =	sadd.s32 $0x1, s29;
	s0 =	sshll.u32 s31, $0x6;
	[sflag:s17] =	ssyncset.done $0x0  }
0xca: {  	p0 =	sne.s32 s29, s11;
	s0 =	sor.u32 $0x1C04, s0;
	[sflag:s17] =	ssyncadd.s32 $0xFFFFC000  }
.Ltmp3:
0xcb: {  	s2 =	sshrl.u32 s5, $0x3;
	[bflag:$0x0] =	sbarrier.arrive $0xFFFF;
	(pc) =	sbr.rel @p0 .LBB2_1-.Ltmp3, $4  }
0xcc: {  	[hbm:s10], [sflag:s0] =	dma.local [spmem:s2], $0x2800  }
0xcd: {  	_ =	swait.ge [sflag:s17], $0x2800  }
0xce: {  	[sflag:s17] =	ssyncset.done $0x0  }
0xcf: {  	[sflag:s17] =	ssyncadd.s32 $0xFFFFD800  }
0xd0: {  	_ =	sfence.sel $0x180000  }
0xd1: {  	[bflag:$0x0] =	sbarrier.arrive $0xFFFF  }
0xd2: {  	_ =	strace $0x9000004A  }
0xd3: {  	s0 =	stileid.u32;
	[bflag:$0x2] =	sbarrier.arrive $0xFFFF  }
0xd4: {  	p0 =	sne.s32 s0, $0x0;
	s0 =	rddreg [dreg:$0x4]  }
0xd5: {  	s0 =	sadd.s32 @!p0 $0x100000, s0  }
0xd6: {  	[sflag:s0] =	ssyncadd.tile.s32 @!p0 $0x1;
	_ =	shalt  }
.Lfunc_end2:
_tile_overlayer_lowered:
.L_overlay_start_2:
0xd7: {  	(tag) =	ssettag $0x2  }
0xd8: {  	s0 =	rddreg [dreg:$0x0];
	s2 =	stileid.u32  }
0xd9: {  	s1 =	rddreg [dreg:$0x1];
	p0 =	sne.s32 s2, $0x0  }
0xda: {  	s3 =	rddreg [dreg:$0x2];
	[bflag:$0x3] =	sbarrier.arrive $0xFFFF;
	s2 =	simm.s32 @!p0 $0x1C04  }
0xdb: {  	[timem:s3], [sflag:s2] =	dma.local @!p0 [hbm:s0], s1  }
0xdc: {  	s0 =	simm.s32 @!p0 $0x4  }
0xdd: {  	_ =	swait.ge @!p0 [sflag:s0], s1  }
0xde: {  	s1 =	ssub.s32 @!p0 $0x0, s1;
	[sflag:s0] =	ssyncset.done @!p0 $0x0  }
0xdf: {  	[sflag:s0] =	ssyncadd.s32 @!p0 s1  }
0xe0: {  	[bflag:$0x3] =	sbarrier.arrive $0xFFFF  }
0xe1: {  	_ =	shalt  }

</sc_bundles>
